<compile_context>
chip_gen: v7x
topology: tpu7x:2x2x1
jax: 0.10.2.dev20260603
libtpu: 0.0.44.dev20260713+nightly
codegen_flags: <defaults>
</compile_context>

<pallas_src>
import functools

import jax
import jax.numpy as jnp
from jax import lax
from jax.experimental import pallas as pl
from jax.experimental.pallas import tpu as pltpu
from jax.experimental.pallas import tpu_sc as plsc

_C = 1.0
_EPS = 1e-5
_MIN_NORM = 1e-15
_PROJ_EPS = 4e-3

_NC = 2
_NS = 16
_NW = _NC * _NS

_CH = 128
_ZC = 128


def _logmap0_body(x_ref, o_ref):
    xb = x_ref[...]
    sq = jnp.sum(xb * xb, axis=-1, keepdims=True)
    norm = jnp.maximum(jnp.sqrt(sq), _MIN_NORM)
    arg = jnp.minimum(norm, 1.0 - _EPS)
    atanh = 0.5 * jnp.log((1.0 + arg) / (1.0 - arg))
    o_ref[...] = atanh * xb / norm


def _expmap_proj_body(p_ref, o_ref):
    u = p_ref[0] + p_ref[1]
    sq = jnp.sum(u * u, axis=-1, keepdims=True)
    norm = jnp.maximum(jnp.sqrt(sq), _MIN_NORM)
    y = jnp.tanh(norm) * u / norm
    sq2 = jnp.sum(y * y, axis=-1, keepdims=True)
    n2 = jnp.maximum(jnp.sqrt(sq2), _MIN_NORM)
    maxnorm = 1.0 - _PROJ_EPS
    o_ref[...] = jnp.where(n2 > maxnorm, y / n2 * maxnorm, y)


def _seg_sum_sc(n_pad, d, l0, l1):
    rows_per_tile = n_pad // _NS
    nzero = rows_per_tile // _ZC
    half = (-(-l1 // 2) + 7) // 8 * 8
    assert rows_per_tile % _ZC == 0 and l0 <= l1 and l1 <= 2 * half

    mesh = plsc.VectorSubcoreMesh(core_axis_name="c", subcore_axis_name="s")

    @functools.partial(
        pl.kernel,
        out_type=jax.ShapeDtypeStruct((_NC, n_pad, d), jnp.float32),
        mesh=mesh,
        scratch_types=[
            pltpu.VMEM((half, _CH), jnp.int32),
            pltpu.VMEM((half, _CH), jnp.int32),
            pltpu.VMEM((_CH, d), jnp.float32),
            pltpu.VMEM_SHARED((n_pad, d), jnp.float32),
            pltpu.SemaphoreType.DMA,
            pltpu.SemaphoreType.DMA,
        ],
    )
    def k(xt, s3, r3, zeros_hbm, out, s_bulk, r_bulk, rows, accum, sem, isem):
        cid = lax.axis_index("c")
        sid = lax.axis_index("s")
        wid = cid * _NS + sid
        nch = jnp.where(cid == 0, l0, l1)

        pltpu.async_copy(s3.at[wid, pl.ds(0, half)], s_bulk, isem)
        pltpu.async_copy(r3.at[wid, pl.ds(0, half)], r_bulk, isem)

        pltpu.sync_copy(zeros_hbm, rows)

        row0 = sid * rows_per_tile
        for z in range(nzero):
            pltpu.sync_copy(rows, accum.at[pl.ds(row0 + z * _ZC, _ZC)])
        plsc.subcore_barrier()

        def body(j, carry):
            pltpu.async_copy(xt.at[s_bulk.at[j]], rows, sem).wait()
            pltpu.sync_copy(rows, accum.at[r_bulk.at[j]], add=True)
            return carry

        for p in range(2):
            if p == 0:
                pltpu.make_async_copy(s3.at[wid, pl.ds(0, half)], s_bulk,
                                      isem).wait()
                pltpu.make_async_copy(r3.at[wid, pl.ds(0, half)], r_bulk,
                                      isem).wait()
            else:
                pltpu.sync_copy(s3.at[wid, pl.ds(p * half, half)], s_bulk)
                pltpu.sync_copy(r3.at[wid, pl.ds(p * half, half)], r_bulk)
            cnt = jnp.clip(nch - p * half, 0, half)
            lax.fori_loop(0, cnt, body, 0, unroll=False)
        plsc.subcore_barrier()

        for z in range(nzero):
            r = row0 + z * _ZC
            pltpu.sync_copy(accum.at[pl.ds(r, _ZC)], rows)
            pltpu.sync_copy(rows, out.at[cid, pl.ds(r, _ZC)])

    return k


def kernel(x, adj):
    n, d = x.shape
    e = adj.shape[1]
    n_pad = -(-n // (_NS * _ZC)) * (_NS * _ZC)
    assert d == 128

    bn = 1000
    x_t = pl.pallas_call(
        _logmap0_body,
        out_shape=jax.ShapeDtypeStruct((n, d), jnp.float32),
        grid=(n // bn,),
        in_specs=[pl.BlockSpec((bn, d), lambda i: (i, 0))],
        out_specs=pl.BlockSpec((bn, d), lambda i: (i, 0)),
    )(x)

    c_total = -(-e // _CH)
    l0 = max(2, int(c_total * 0.375) // _NS)
    l1 = -(-(c_total - _NS * l0) // _NS)
    la = 2 * ((-(-l1 // 2) + 7) // 8 * 8)
    e_pad = _NS * (l0 + l1) * _CH
    s = adj[0]
    r = adj[1]
    if e_pad != e:
        s = jnp.concatenate([s, jnp.full((e_pad - e,), n, jnp.int32)])
        r = jnp.concatenate([r, jnp.zeros((e_pad - e,), jnp.int32)])
    e0 = _NS * l0 * _CH
    s3 = jnp.concatenate([
        jnp.pad(s[:e0].reshape(_NS, l0, _CH), ((0, 0), (0, la - l0), (0, 0)),
                constant_values=n),
        jnp.pad(s[e0:].reshape(_NS, l1, _CH), ((0, 0), (0, la - l1), (0, 0)),
                constant_values=n),
    ])
    r3 = jnp.concatenate([
        jnp.pad(r[:e0].reshape(_NS, l0, _CH), ((0, 0), (0, la - l0), (0, 0))),
        jnp.pad(r[e0:].reshape(_NS, l1, _CH), ((0, 0), (0, la - l1), (0, 0))),
    ])
    xt_pad = jnp.concatenate([x_t, jnp.zeros((8, d), jnp.float32)])
    zeros = jnp.zeros((_ZC, d), jnp.float32)

    partials = _seg_sum_sc(n_pad, d, l0, l1)(xt_pad, s3, r3, zeros)

    out = pl.pallas_call(
        _expmap_proj_body,
        out_shape=jax.ShapeDtypeStruct((n, d), jnp.float32),
        grid=(n // bn,),
        in_specs=[pl.BlockSpec((_NC, bn, d), lambda i: (0, i, 0))],
        out_specs=pl.BlockSpec((bn, d), lambda i: (i, 0)),
    )(partials)
    return out

# --- scband reference (transcript-rebuilt; emitter-appended) ---
"""Pipeline reference for scband-hyp-agg-54073638256863 (READ-ONLY COPY).

The authoritative reference and input builder live on the scoring server;
editing this copy changes nothing except your own understanding.
"""

import jax, jax.numpy as jnp
import numpy as np

C = 1.0
EPS = 1e-5
MIN_NORM = 1e-15
PROJ_EPS = 4e-3


def _proj(x, c):
    sqrt_c = jnp.sqrt(c)
    norm = jnp.clip(jnp.linalg.norm(x, axis=-1, keepdims=True), MIN_NORM, None)
    maxnorm = (1.0 - PROJ_EPS) / sqrt_c
    projected = x / norm * maxnorm
    return jnp.where(norm > maxnorm, projected, x)


def _logmap0(x, c):
    sqrt_c = jnp.sqrt(c)
    norm = jnp.clip(jnp.linalg.norm(x, axis=-1, keepdims=True), MIN_NORM, None)
    arg = jnp.clip(sqrt_c * norm, None, 1.0 - EPS)
    return jnp.arctanh(arg) * x / (sqrt_c * norm)


def _expmap0(u, c):
    sqrt_c = jnp.sqrt(c)
    norm = jnp.clip(jnp.linalg.norm(u, axis=-1, keepdims=True), MIN_NORM, None)
    return jnp.tanh(sqrt_c * norm) * u / (sqrt_c * norm)


def setup_inputs(seed: int = 0) -> dict:
    key = jax.random.key(seed)
    k1, k2 = jax.random.split(key)
    n, d, e = 10000, 128, 320000
    x = 0.1 * jax.random.normal(k1, (n, d), dtype=jnp.float32)
    x = _proj(x, C)  # valid Poincare-ball points
    adj = jax.random.randint(k2, (2, e), 0, n, dtype=jnp.int32)
    return {"x": x, "adj": adj}


def reference(x, adj):
    # HypAgg with use_att=False, edge_conv=None, agg='sum', dropout=0.0
    n = x.shape[0]
    s, r = adj[0], adj[1]
    # manifold.logmap0 (Poincare ball, curvature c)
    x_t = _logmap0(x, C)
    # dropout(p=0.0) is identity
    # gather source-node features along edges
    x_s = jnp.take(x_t, s, axis=0)
    # jraph.segment_sum over destination nodes
    x_agg = jax.ops.segment_sum(x_s, r, num_segments=n)
    # manifold.proj(manifold.expmap0(...))
    return _proj(_expmap0(x_agg, C), C)

if __name__ == "__main__":
    import jax
    _d = setup_inputs()
    print(jax.jit(kernel)(*tuple(_d.values())))

</pallas_src>

<mosaic_0001>
#map = affine_map<(d0, d1) -> (0, 0)>
#map1 = affine_map<(d0, d1) -> (0, 0, 0)>
module attributes {stable_mosaic.version = 14 : i64} {
  func.func @k(%arg0: i32, %arg1: i32, %arg2: memref<10008x128xf32, #tpu.memory_space<hbm>>, %arg3: memref<32x112x128xi32, #tpu.memory_space<hbm>>, %arg4: memref<32x112x128xi32, #tpu.memory_space<hbm>>, %arg5: memref<128x128xf32, #tpu.memory_space<hbm>>, %arg6: memref<2x10240x128xf32, #tpu.memory_space<hbm>>, %arg7: memref<56x128xi32, #tpu.memory_space<vmem>>, %arg8: memref<56x128xi32, #tpu.memory_space<vmem>>, %arg9: memref<128x128xf32, #tpu.memory_space<vmem>>, %arg10: memref<10240x128xf32, #tpu.memory_space<vmem_shared>>, %arg11: memref<!tpu.dma_semaphore, #tpu.memory_space<semaphore_mem>>, %arg12: memref<!tpu.dma_semaphore, #tpu.memory_space<semaphore_mem>>) attributes {dimension_semantics = [#tpu.dimension_semantics<core_parallel>, #tpu.dimension_semantics<subcore_parallel>], iteration_bounds = array<i64: 2, 16>, scalar_prefetch = 0 : i64, scratch_operands = 6 : i64, tpu.core_type = #tpu.core_type<sc_vector_subcore>, window_params = [{transform_indices = #map}, {transform_indices = #map1}, {transform_indices = #map1}, {transform_indices = #map}, {transform_indices = #map1}]} {
    %mul3A = arith.constant 16 : i32
    %mul3A_0 = arith.muli %arg0, %mul3A : i32
    %add3A = arith.addi %mul3A_0, %arg1 : i32
    %eq3A = arith.constant 0 : i32
    %eq3A_1 = arith.cmpi eq, %arg0, %eq3A : i32
    %jit3A = arith.constant 58 : i32
    %jit3A_2 = arith.constant 99 : i32
    %select_n3A = arith.select %eq3A_1, %jit3A, %jit3A_2 : i32
    %dma_start3A = arith.constant 0 : i32
    %dma_start3A_3 = arith.constant 0 : i32
    %dma_start3A_4 = tpu.memref_slice %arg3[%add3A, %dma_start3A, %dma_start3A_3] : memref<32x112x128xi32, #tpu.memory_space<hbm>> -> memref<1x56x128xi32, #tpu.memory_space<hbm>>
    %dma_start3A_5 = tpu.memref_squeeze %dma_start3A_4 : memref<1x56x128xi32, #tpu.memory_space<hbm>> -> memref<56x128xi32, #tpu.memory_space<hbm>>
    %dma_start3A_6 = arith.constant 0 : i32
    %dma_start3A_7 = arith.constant 0 : i32
    %dma_start3A_8 = tpu.memref_slice %arg3[%add3A, %dma_start3A_6, %dma_start3A_7] : memref<32x112x128xi32, #tpu.memory_space<hbm>> -> memref<1x56x128xi32, #tpu.memory_space<hbm>>
    %dma_start3A_9 = tpu.memref_squeeze %dma_start3A_8 : memref<1x56x128xi32, #tpu.memory_space<hbm>> -> memref<56x128xi32, #tpu.memory_space<hbm>>
    tpu.enqueue_dma source(%dma_start3A_9 : memref<56x128xi32, #tpu.memory_space<hbm>>) target(%arg7 : memref<56x128xi32, #tpu.memory_space<vmem>>) target_semaphore(%arg12 : memref<!tpu.dma_semaphore, #tpu.memory_space<semaphore_mem>>)
    %dma_start3A_10 = arith.constant 0 : i32
    %dma_start3A_11 = arith.constant 0 : i32
    %dma_start3A_12 = tpu.memref_slice %arg4[%add3A, %dma_start3A_10, %dma_start3A_11] : memref<32x112x128xi32, #tpu.memory_space<hbm>> -> memref<1x56x128xi32, #tpu.memory_space<hbm>>
    %dma_start3A_13 = tpu.memref_squeeze %dma_start3A_12 : memref<1x56x128xi32, #tpu.memory_space<hbm>> -> memref<56x128xi32, #tpu.memory_space<hbm>>
    %dma_start3A_14 = arith.constant 0 : i32
    %dma_start3A_15 = arith.constant 0 : i32
    %dma_start3A_16 = tpu.memref_slice %arg4[%add3A, %dma_start3A_14, %dma_start3A_15] : memref<32x112x128xi32, #tpu.memory_space<hbm>> -> memref<1x56x128xi32, #tpu.memory_space<hbm>>
    %dma_start3A_17 = tpu.memref_squeeze %dma_start3A_16 : memref<1x56x128xi32, #tpu.memory_space<hbm>> -> memref<56x128xi32, #tpu.memory_space<hbm>>
    tpu.enqueue_dma source(%dma_start3A_17 : memref<56x128xi32, #tpu.memory_space<hbm>>) target(%arg8 : memref<56x128xi32, #tpu.memory_space<vmem>>) target_semaphore(%arg12 : memref<!tpu.dma_semaphore, #tpu.memory_space<semaphore_mem>>)
    "tpu.region"() ({
      %run_scoped3A = tpu.sem_alloc : memref<!tpu.dma_semaphore, #tpu.memory_space<semaphore_mem>>
      tpu.enqueue_dma source(%arg5 : memref<128x128xf32, #tpu.memory_space<hbm>>) target(%arg9 : memref<128x128xf32, #tpu.memory_space<vmem>>) target_semaphore(%run_scoped3A : memref<!tpu.dma_semaphore, #tpu.memory_space<semaphore_mem>>)
      tpu.wait_dma2 semaphore(%run_scoped3A : memref<!tpu.dma_semaphore, #tpu.memory_space<semaphore_mem>>) src(%arg5 : memref<128x128xf32, #tpu.memory_space<hbm>>) dst(%arg9 : memref<128x128xf32, #tpu.memory_space<vmem>>)
      tpu.yield
    }) : () -> ()
    %mul3A_18 = arith.constant 640 : i32
    %mul3A_19 = arith.muli %arg1, %mul3A_18 : i32
    %add3A_20 = arith.constant 0 : i32
    %add3A_21 = arith.addi %mul3A_19, %add3A_20 : i32
    "tpu.region"() ({
      %run_scoped3A = tpu.sem_alloc : memref<!tpu.dma_semaphore, #tpu.memory_space<semaphore_mem>>
      %dma_start3A_84 = arith.constant 0 : i32
      %dma_start3A_85 = tpu.memref_slice %arg10[%add3A_21, %dma_start3A_84] : memref<10240x128xf32, #tpu.memory_space<vmem_shared>> -> memref<128x128xf32, #tpu.memory_space<vmem_shared>>
      %dma_start3A_86 = arith.constant 0 : i32
      %dma_start3A_87 = tpu.memref_slice %arg10[%add3A_21, %dma_start3A_86] : memref<10240x128xf32, #tpu.memory_space<vmem_shared>> -> memref<128x128xf32, #tpu.memory_space<vmem_shared>>
      tpu.enqueue_dma source(%arg9 : memref<128x128xf32, #tpu.memory_space<vmem>>) target(%dma_start3A_87 : memref<128x128xf32, #tpu.memory_space<vmem_shared>>) target_semaphore(%run_scoped3A : memref<!tpu.dma_semaphore, #tpu.memory_space<semaphore_mem>>)
      %dma_wait3A_88 = arith.constant 0 : i32
      %dma_wait3A_89 = tpu.memref_slice %arg10[%add3A_21, %dma_wait3A_88] : memref<10240x128xf32, #tpu.memory_space<vmem_shared>> -> memref<128x128xf32, #tpu.memory_space<vmem_shared>>
      %dma_wait3A_90 = arith.constant 0 : i32
      %dma_wait3A_91 = tpu.memref_slice %arg10[%add3A_21, %dma_wait3A_90] : memref<10240x128xf32, #tpu.memory_space<vmem_shared>> -> memref<128x128xf32, #tpu.memory_space<vmem_shared>>
      tpu.wait_dma2 semaphore(%run_scoped3A : memref<!tpu.dma_semaphore, #tpu.memory_space<semaphore_mem>>) src(%arg9 : memref<128x128xf32, #tpu.memory_space<vmem>>) dst(%dma_wait3A_91 : memref<128x128xf32, #tpu.memory_space<vmem_shared>>)
      tpu.yield
    }) : () -> ()
    %add3A_22 = arith.constant 128 : i32
    %add3A_23 = arith.addi %mul3A_19, %add3A_22 : i32
    "tpu.region"() ({
      %run_scoped3A = tpu.sem_alloc : memref<!tpu.dma_semaphore, #tpu.memory_space<semaphore_mem>>
      %dma_start3A_84 = arith.constant 0 : i32
      %dma_start3A_85 = tpu.memref_slice %arg10[%add3A_23, %dma_start3A_84] : memref<10240x128xf32, #tpu.memory_space<vmem_shared>> -> memref<128x128xf32, #tpu.memory_space<vmem_shared>>
      %dma_start3A_86 = arith.constant 0 : i32
      %dma_start3A_87 = tpu.memref_slice %arg10[%add3A_23, %dma_start3A_86] : memref<10240x128xf32, #tpu.memory_space<vmem_shared>> -> memref<128x128xf32, #tpu.memory_space<vmem_shared>>
      tpu.enqueue_dma source(%arg9 : memref<128x128xf32, #tpu.memory_space<vmem>>) target(%dma_start3A_87 : memref<128x128xf32, #tpu.memory_space<vmem_shared>>) target_semaphore(%run_scoped3A : memref<!tpu.dma_semaphore, #tpu.memory_space<semaphore_mem>>)
      %dma_wait3A_88 = arith.constant 0 : i32
      %dma_wait3A_89 = tpu.memref_slice %arg10[%add3A_23, %dma_wait3A_88] : memref<10240x128xf32, #tpu.memory_space<vmem_shared>> -> memref<128x128xf32, #tpu.memory_space<vmem_shared>>
      %dma_wait3A_90 = arith.constant 0 : i32
      %dma_wait3A_91 = tpu.memref_slice %arg10[%add3A_23, %dma_wait3A_90] : memref<10240x128xf32, #tpu.memory_space<vmem_shared>> -> memref<128x128xf32, #tpu.memory_space<vmem_shared>>
      tpu.wait_dma2 semaphore(%run_scoped3A : memref<!tpu.dma_semaphore, #tpu.memory_space<semaphore_mem>>) src(%arg9 : memref<128x128xf32, #tpu.memory_space<vmem>>) dst(%dma_wait3A_91 : memref<128x128xf32, #tpu.memory_space<vmem_shared>>)
      tpu.yield
    }) : () -> ()
    %add3A_24 = arith.constant 256 : i32
    %add3A_25 = arith.addi %mul3A_19, %add3A_24 : i32
    "tpu.region"() ({
      %run_scoped3A = tpu.sem_alloc : memref<!tpu.dma_semaphore, #tpu.memory_space<semaphore_mem>>
      %dma_start3A_84 = arith.constant 0 : i32
      %dma_start3A_85 = tpu.memref_slice %arg10[%add3A_25, %dma_start3A_84] : memref<10240x128xf32, #tpu.memory_space<vmem_shared>> -> memref<128x128xf32, #tpu.memory_space<vmem_shared>>
      %dma_start3A_86 = arith.constant 0 : i32
      %dma_start3A_87 = tpu.memref_slice %arg10[%add3A_25, %dma_start3A_86] : memref<10240x128xf32, #tpu.memory_space<vmem_shared>> -> memref<128x128xf32, #tpu.memory_space<vmem_shared>>
      tpu.enqueue_dma source(%arg9 : memref<128x128xf32, #tpu.memory_space<vmem>>) target(%dma_start3A_87 : memref<128x128xf32, #tpu.memory_space<vmem_shared>>) target_semaphore(%run_scoped3A : memref<!tpu.dma_semaphore, #tpu.memory_space<semaphore_mem>>)
      %dma_wait3A_88 = arith.constant 0 : i32
      %dma_wait3A_89 = tpu.memref_slice %arg10[%add3A_25, %dma_wait3A_88] : memref<10240x128xf32, #tpu.memory_space<vmem_shared>> -> memref<128x128xf32, #tpu.memory_space<vmem_shared>>
      %dma_wait3A_90 = arith.constant 0 : i32
      %dma_wait3A_91 = tpu.memref_slice %arg10[%add3A_25, %dma_wait3A_90] : memref<10240x128xf32, #tpu.memory_space<vmem_shared>> -> memref<128x128xf32, #tpu.memory_space<vmem_shared>>
      tpu.wait_dma2 semaphore(%run_scoped3A : memref<!tpu.dma_semaphore, #tpu.memory_space<semaphore_mem>>) src(%arg9 : memref<128x128xf32, #tpu.memory_space<vmem>>) dst(%dma_wait3A_91 : memref<128x128xf32, #tpu.memory_space<vmem_shared>>)
      tpu.yield
    }) : () -> ()
    %add3A_26 = arith.constant 384 : i32
    %add3A_27 = arith.addi %mul3A_19, %add3A_26 : i32
    "tpu.region"() ({
      %run_scoped3A = tpu.sem_alloc : memref<!tpu.dma_semaphore, #tpu.memory_space<semaphore_mem>>
      %dma_start3A_84 = arith.constant 0 : i32
      %dma_start3A_85 = tpu.memref_slice %arg10[%add3A_27, %dma_start3A_84] : memref<10240x128xf32, #tpu.memory_space<vmem_shared>> -> memref<128x128xf32, #tpu.memory_space<vmem_shared>>
      %dma_start3A_86 = arith.constant 0 : i32
      %dma_start3A_87 = tpu.memref_slice %arg10[%add3A_27, %dma_start3A_86] : memref<10240x128xf32, #tpu.memory_space<vmem_shared>> -> memref<128x128xf32, #tpu.memory_space<vmem_shared>>
      tpu.enqueue_dma source(%arg9 : memref<128x128xf32, #tpu.memory_space<vmem>>) target(%dma_start3A_87 : memref<128x128xf32, #tpu.memory_space<vmem_shared>>) target_semaphore(%run_scoped3A : memref<!tpu.dma_semaphore, #tpu.memory_space<semaphore_mem>>)
      %dma_wait3A_88 = arith.constant 0 : i32
      %dma_wait3A_89 = tpu.memref_slice %arg10[%add3A_27, %dma_wait3A_88] : memref<10240x128xf32, #tpu.memory_space<vmem_shared>> -> memref<128x128xf32, #tpu.memory_space<vmem_shared>>
      %dma_wait3A_90 = arith.constant 0 : i32
      %dma_wait3A_91 = tpu.memref_slice %arg10[%add3A_27, %dma_wait3A_90] : memref<10240x128xf32, #tpu.memory_space<vmem_shared>> -> memref<128x128xf32, #tpu.memory_space<vmem_shared>>
      tpu.wait_dma2 semaphore(%run_scoped3A : memref<!tpu.dma_semaphore, #tpu.memory_space<semaphore_mem>>) src(%arg9 : memref<128x128xf32, #tpu.memory_space<vmem>>) dst(%dma_wait3A_91 : memref<128x128xf32, #tpu.memory_space<vmem_shared>>)
      tpu.yield
    }) : () -> ()
    %add3A_28 = arith.constant 512 : i32
    %add3A_29 = arith.addi %mul3A_19, %add3A_28 : i32
    "tpu.region"() ({
      %run_scoped3A = tpu.sem_alloc : memref<!tpu.dma_semaphore, #tpu.memory_space<semaphore_mem>>
      %dma_start3A_84 = arith.constant 0 : i32
      %dma_start3A_85 = tpu.memref_slice %arg10[%add3A_29, %dma_start3A_84] : memref<10240x128xf32, #tpu.memory_space<vmem_shared>> -> memref<128x128xf32, #tpu.memory_space<vmem_shared>>
      %dma_start3A_86 = arith.constant 0 : i32
      %dma_start3A_87 = tpu.memref_slice %arg10[%add3A_29, %dma_start3A_86] : memref<10240x128xf32, #tpu.memory_space<vmem_shared>> -> memref<128x128xf32, #tpu.memory_space<vmem_shared>>
      tpu.enqueue_dma source(%arg9 : memref<128x128xf32, #tpu.memory_space<vmem>>) target(%dma_start3A_87 : memref<128x128xf32, #tpu.memory_space<vmem_shared>>) target_semaphore(%run_scoped3A : memref<!tpu.dma_semaphore, #tpu.memory_space<semaphore_mem>>)
      %dma_wait3A_88 = arith.constant 0 : i32
      %dma_wait3A_89 = tpu.memref_slice %arg10[%add3A_29, %dma_wait3A_88] : memref<10240x128xf32, #tpu.memory_space<vmem_shared>> -> memref<128x128xf32, #tpu.memory_space<vmem_shared>>
      %dma_wait3A_90 = arith.constant 0 : i32
      %dma_wait3A_91 = tpu.memref_slice %arg10[%add3A_29, %dma_wait3A_90] : memref<10240x128xf32, #tpu.memory_space<vmem_shared>> -> memref<128x128xf32, #tpu.memory_space<vmem_shared>>
      tpu.wait_dma2 semaphore(%run_scoped3A : memref<!tpu.dma_semaphore, #tpu.memory_space<semaphore_mem>>) src(%arg9 : memref<128x128xf32, #tpu.memory_space<vmem>>) dst(%dma_wait3A_91 : memref<128x128xf32, #tpu.memory_space<vmem_shared>>)
      tpu.yield
    }) : () -> ()
    %barrier3A = arith.constant 0 : index
    tpu.barrier barrier_id(%barrier3A)
    %dma_wait3A = arith.constant 0 : i32
    %dma_wait3A_30 = arith.constant 0 : i32
    %dma_wait3A_31 = tpu.memref_slice %arg3[%add3A, %dma_wait3A, %dma_wait3A_30] : memref<32x112x128xi32, #tpu.memory_space<hbm>> -> memref<1x56x128xi32, #tpu.memory_space<hbm>>
    %dma_wait3A_32 = tpu.memref_squeeze %dma_wait3A_31 : memref<1x56x128xi32, #tpu.memory_space<hbm>> -> memref<56x128xi32, #tpu.memory_space<hbm>>
    %dma_wait3A_33 = arith.constant 0 : i32
    %dma_wait3A_34 = arith.constant 0 : i32
    %dma_wait3A_35 = tpu.memref_slice %arg3[%add3A, %dma_wait3A_33, %dma_wait3A_34] : memref<32x112x128xi32, #tpu.memory_space<hbm>> -> memref<1x56x128xi32, #tpu.memory_space<hbm>>
    %dma_wait3A_36 = tpu.memref_squeeze %dma_wait3A_35 : memref<1x56x128xi32, #tpu.memory_space<hbm>> -> memref<56x128xi32, #tpu.memory_space<hbm>>
    tpu.wait_dma2 semaphore(%arg12 : memref<!tpu.dma_semaphore, #tpu.memory_space<semaphore_mem>>) src(%dma_wait3A_36 : memref<56x128xi32, #tpu.memory_space<hbm>>) dst(%arg7 : memref<56x128xi32, #tpu.memory_space<vmem>>)
    %dma_wait3A_37 = arith.constant 0 : i32
    %dma_wait3A_38 = arith.constant 0 : i32
    %dma_wait3A_39 = tpu.memref_slice %arg4[%add3A, %dma_wait3A_37, %dma_wait3A_38] : memref<32x112x128xi32, #tpu.memory_space<hbm>> -> memref<1x56x128xi32, #tpu.memory_space<hbm>>
    %dma_wait3A_40 = tpu.memref_squeeze %dma_wait3A_39 : memref<1x56x128xi32, #tpu.memory_space<hbm>> -> memref<56x128xi32, #tpu.memory_space<hbm>>
    %dma_wait3A_41 = arith.constant 0 : i32
    %dma_wait3A_42 = arith.constant 0 : i32
    %dma_wait3A_43 = tpu.memref_slice %arg4[%add3A, %dma_wait3A_41, %dma_wait3A_42] : memref<32x112x128xi32, #tpu.memory_space<hbm>> -> memref<1x56x128xi32, #tpu.memory_space<hbm>>
    %dma_wait3A_44 = tpu.memref_squeeze %dma_wait3A_43 : memref<1x56x128xi32, #tpu.memory_space<hbm>> -> memref<56x128xi32, #tpu.memory_space<hbm>>
    tpu.wait_dma2 semaphore(%arg12 : memref<!tpu.dma_semaphore, #tpu.memory_space<semaphore_mem>>) src(%dma_wait3A_44 : memref<56x128xi32, #tpu.memory_space<hbm>>) dst(%arg8 : memref<56x128xi32, #tpu.memory_space<vmem>>)
    %sub3A = arith.constant 0 : i32
    %sub3A_45 = arith.subi %select_n3A, %sub3A : i32
    %jit3A_46 = arith.constant 0 : i32
    %jit3A_47 = arith.constant 56 : i32
    %max3A = arith.maxsi %jit3A_46, %sub3A_45 : i32
    %min3A = arith.minsi %jit3A_47, %max3A : i32
    %while3A = arith.constant 0 : i32
    %while3A_48 = arith.constant 0 : i32
    %while3A_49 = arith.subi %min3A, %while3A_48 : i32
    %while3A_50 = arith.addi %while3A_48, %while3A_49 : i32
    %while3A_51 = arith.constant 1 : i32
    %while3A_52 = arith.divsi %while3A_49, %while3A_51 : i32
    %while3A_53 = arith.muli %while3A_52, %while3A_51 : i32
    %while3A_54 = arith.addi %while3A_48, %while3A_53 : i32
    %while3A_55 = arith.constant 1 : i32
    scf.for %while3A_84 = %while3A_48 to %while3A_54 step %while3A_55  : i32 {
      %dma_start3A_85 = arith.constant 0 : i32
      %dma_start3A_86 = tpu.memref_slice %arg7[%while3A_84, %dma_start3A_85] : memref<56x128xi32, #tpu.memory_space<vmem>> -> memref<1x128xi32, #tpu.memory_space<vmem>>
      %dma_start3A_87 = tpu.memref_squeeze %dma_start3A_86 : memref<1x128xi32, #tpu.memory_space<vmem>> -> memref<128xi32, #tpu.memory_space<vmem>>
      %dma_start3A_88 = arith.constant 0 : i32
      %dma_start3A_89 = arith.constant 0 : i32
      %dma_start3A_90 = tpu.memref_slice %arg2[%dma_start3A_88, %dma_start3A_89] : memref<10008x128xf32, #tpu.memory_space<hbm>> -> memref<10008x128xf32, #tpu.memory_space<hbm>>
      tpu.enqueue_indirect_dma source(%dma_start3A_90 : memref<10008x128xf32, #tpu.memory_space<hbm>>) target(%arg9 : memref<128x128xf32, #tpu.memory_space<vmem>>) offsets(%dma_start3A_87 : memref<128xi32, #tpu.memory_space<vmem>>) semaphore(%arg11 : memref<!tpu.dma_semaphore, #tpu.memory_space<semaphore_mem>>)
      %dma_wait3A_91 = arith.constant 0 : i32
      %dma_wait3A_92 = tpu.memref_slice %arg7[%while3A_84, %dma_wait3A_91] : memref<56x128xi32, #tpu.memory_space<vmem>> -> memref<1x128xi32, #tpu.memory_space<vmem>>
      %dma_wait3A_93 = tpu.memref_squeeze %dma_wait3A_92 : memref<1x128xi32, #tpu.memory_space<vmem>> -> memref<128xi32, #tpu.memory_space<vmem>>
      %dma_wait3A_94 = arith.constant 0 : i32
      %dma_wait3A_95 = arith.constant 0 : i32
      %dma_wait3A_96 = tpu.memref_slice %arg2[%dma_wait3A_94, %dma_wait3A_95] : memref<10008x128xf32, #tpu.memory_space<hbm>> -> memref<10008x128xf32, #tpu.memory_space<hbm>>
      tpu.wait_indirect_dma semaphore(%arg11 : memref<!tpu.dma_semaphore, #tpu.memory_space<semaphore_mem>>) src(%dma_wait3A_96 : memref<10008x128xf32, #tpu.memory_space<hbm>>) dst(%arg9 : memref<128x128xf32, #tpu.memory_space<vmem>>)
      "tpu.region"() ({
        %run_scoped3A = tpu.sem_alloc : memref<!tpu.dma_semaphore, #tpu.memory_space<semaphore_mem>>
        %dma_start3A_97 = arith.constant 0 : i32
        %dma_start3A_98 = tpu.memref_slice %arg8[%while3A_84, %dma_start3A_97] : memref<56x128xi32, #tpu.memory_space<vmem>> -> memref<1x128xi32, #tpu.memory_space<vmem>>
        %dma_start3A_99 = tpu.memref_squeeze %dma_start3A_98 : memref<1x128xi32, #tpu.memory_space<vmem>> -> memref<128xi32, #tpu.memory_space<vmem>>
        %dma_start3A_100 = arith.constant 0 : i32
        %dma_start3A_101 = arith.constant 0 : i32
        %dma_start3A_102 = tpu.memref_slice %arg10[%dma_start3A_100, %dma_start3A_101] : memref<10240x128xf32, #tpu.memory_space<vmem_shared>> -> memref<10240x128xf32, #tpu.memory_space<vmem_shared>>
        tpu.enqueue_indirect_dma source(%arg9 : memref<128x128xf32, #tpu.memory_space<vmem>>) target(%dma_start3A_102 : memref<10240x128xf32, #tpu.memory_space<vmem_shared>>) offsets(%dma_start3A_99 : memref<128xi32, #tpu.memory_space<vmem>>) semaphore(%run_scoped3A : memref<!tpu.dma_semaphore, #tpu.memory_space<semaphore_mem>>) {add = true}
        %dma_wait3A_103 = arith.constant 0 : i32
        %dma_wait3A_104 = tpu.memref_slice %arg8[%while3A_84, %dma_wait3A_103] : memref<56x128xi32, #tpu.memory_space<vmem>> -> memref<1x128xi32, #tpu.memory_space<vmem>>
        %dma_wait3A_105 = tpu.memref_squeeze %dma_wait3A_104 : memref<1x128xi32, #tpu.memory_space<vmem>> -> memref<128xi32, #tpu.memory_space<vmem>>
        %dma_wait3A_106 = arith.constant 0 : i32
        %dma_wait3A_107 = arith.constant 0 : i32
        %dma_wait3A_108 = tpu.memref_slice %arg10[%dma_wait3A_106, %dma_wait3A_107] : memref<10240x128xf32, #tpu.memory_space<vmem_shared>> -> memref<10240x128xf32, #tpu.memory_space<vmem_shared>>
        tpu.wait_indirect_dma semaphore(%run_scoped3A : memref<!tpu.dma_semaphore, #tpu.memory_space<semaphore_mem>>) src(%arg9 : memref<128x128xf32, #tpu.memory_space<vmem>>) dst(%dma_wait3A_108 : memref<10240x128xf32, #tpu.memory_space<vmem_shared>>)
        tpu.yield
      }) : () -> ()
    }
    %while3A_56 = arith.constant 1 : i32
    scf.for %while3A_84 = %while3A_54 to %while3A_50 step %while3A_56  : i32 {
      %dma_start3A_85 = arith.constant 0 : i32
      %dma_start3A_86 = tpu.memref_slice %arg7[%while3A_84, %dma_start3A_85] : memref<56x128xi32, #tpu.memory_space<vmem>> -> memref<1x128xi32, #tpu.memory_space<vmem>>
      %dma_start3A_87 = tpu.memref_squeeze %dma_start3A_86 : memref<1x128xi32, #tpu.memory_space<vmem>> -> memref<128xi32, #tpu.memory_space<vmem>>
      %dma_start3A_88 = arith.constant 0 : i32
      %dma_start3A_89 = arith.constant 0 : i32
      %dma_start3A_90 = tpu.memref_slice %arg2[%dma_start3A_88, %dma_start3A_89] : memref<10008x128xf32, #tpu.memory_space<hbm>> -> memref<10008x128xf32, #tpu.memory_space<hbm>>
      tpu.enqueue_indirect_dma source(%dma_start3A_90 : memref<10008x128xf32, #tpu.memory_space<hbm>>) target(%arg9 : memref<128x128xf32, #tpu.memory_space<vmem>>) offsets(%dma_start3A_87 : memref<128xi32, #tpu.memory_space<vmem>>) semaphore(%arg11 : memref<!tpu.dma_semaphore, #tpu.memory_space<semaphore_mem>>)
      %dma_wait3A_91 = arith.constant 0 : i32
      %dma_wait3A_92 = tpu.memref_slice %arg7[%while3A_84, %dma_wait3A_91] : memref<56x128xi32, #tpu.memory_space<vmem>> -> memref<1x128xi32, #tpu.memory_space<vmem>>
      %dma_wait3A_93 = tpu.memref_squeeze %dma_wait3A_92 : memref<1x128xi32, #tpu.memory_space<vmem>> -> memref<128xi32, #tpu.memory_space<vmem>>
      %dma_wait3A_94 = arith.constant 0 : i32
      %dma_wait3A_95 = arith.constant 0 : i32
      %dma_wait3A_96 = tpu.memref_slice %arg2[%dma_wait3A_94, %dma_wait3A_95] : memref<10008x128xf32, #tpu.memory_space<hbm>> -> memref<10008x128xf32, #tpu.memory_space<hbm>>
      tpu.wait_indirect_dma semaphore(%arg11 : memref<!tpu.dma_semaphore, #tpu.memory_space<semaphore_mem>>) src(%dma_wait3A_96 : memref<10008x128xf32, #tpu.memory_space<hbm>>) dst(%arg9 : memref<128x128xf32, #tpu.memory_space<vmem>>)
      "tpu.region"() ({
        %run_scoped3A = tpu.sem_alloc : memref<!tpu.dma_semaphore, #tpu.memory_space<semaphore_mem>>
        %dma_start3A_97 = arith.constant 0 : i32
        %dma_start3A_98 = tpu.memref_slice %arg8[%while3A_84, %dma_start3A_97] : memref<56x128xi32, #tpu.memory_space<vmem>> -> memref<1x128xi32, #tpu.memory_space<vmem>>
        %dma_start3A_99 = tpu.memref_squeeze %dma_start3A_98 : memref<1x128xi32, #tpu.memory_space<vmem>> -> memref<128xi32, #tpu.memory_space<vmem>>
        %dma_start3A_100 = arith.constant 0 : i32
        %dma_start3A_101 = arith.constant 0 : i32
        %dma_start3A_102 = tpu.memref_slice %arg10[%dma_start3A_100, %dma_start3A_101] : memref<10240x128xf32, #tpu.memory_space<vmem_shared>> -> memref<10240x128xf32, #tpu.memory_space<vmem_shared>>
        tpu.enqueue_indirect_dma source(%arg9 : memref<128x128xf32, #tpu.memory_space<vmem>>) target(%dma_start3A_102 : memref<10240x128xf32, #tpu.memory_space<vmem_shared>>) offsets(%dma_start3A_99 : memref<128xi32, #tpu.memory_space<vmem>>) semaphore(%run_scoped3A : memref<!tpu.dma_semaphore, #tpu.memory_space<semaphore_mem>>) {add = true}
        %dma_wait3A_103 = arith.constant 0 : i32
        %dma_wait3A_104 = tpu.memref_slice %arg8[%while3A_84, %dma_wait3A_103] : memref<56x128xi32, #tpu.memory_space<vmem>> -> memref<1x128xi32, #tpu.memory_space<vmem>>
        %dma_wait3A_105 = tpu.memref_squeeze %dma_wait3A_104 : memref<1x128xi32, #tpu.memory_space<vmem>> -> memref<128xi32, #tpu.memory_space<vmem>>
        %dma_wait3A_106 = arith.constant 0 : i32
        %dma_wait3A_107 = arith.constant 0 : i32
        %dma_wait3A_108 = tpu.memref_slice %arg10[%dma_wait3A_106, %dma_wait3A_107] : memref<10240x128xf32, #tpu.memory_space<vmem_shared>> -> memref<10240x128xf32, #tpu.memory_space<vmem_shared>>
        tpu.wait_indirect_dma semaphore(%run_scoped3A : memref<!tpu.dma_semaphore, #tpu.memory_space<semaphore_mem>>) src(%arg9 : memref<128x128xf32, #tpu.memory_space<vmem>>) dst(%dma_wait3A_108 : memref<10240x128xf32, #tpu.memory_space<vmem_shared>>)
        tpu.yield
      }) : () -> ()
    }
    "tpu.region"() ({
      %run_scoped3A = tpu.sem_alloc : memref<!tpu.dma_semaphore, #tpu.memory_space<semaphore_mem>>
      %dma_start3A_84 = arith.constant 56 : i32
      %dma_start3A_85 = arith.constant 0 : i32
      %dma_start3A_86 = tpu.memref_slice %arg3[%add3A, %dma_start3A_84, %dma_start3A_85] : memref<32x112x128xi32, #tpu.memory_space<hbm>> -> memref<1x56x128xi32, #tpu.memory_space<hbm>>
      %dma_start3A_87 = tpu.memref_squeeze %dma_start3A_86 : memref<1x56x128xi32, #tpu.memory_space<hbm>> -> memref<56x128xi32, #tpu.memory_space<hbm>>
      %dma_start3A_88 = arith.constant 56 : i32
      %dma_start3A_89 = arith.constant 0 : i32
      %dma_start3A_90 = tpu.memref_slice %arg3[%add3A, %dma_start3A_88, %dma_start3A_89] : memref<32x112x128xi32, #tpu.memory_space<hbm>> -> memref<1x56x128xi32, #tpu.memory_space<hbm>>
      %dma_start3A_91 = tpu.memref_squeeze %dma_start3A_90 : memref<1x56x128xi32, #tpu.memory_space<hbm>> -> memref<56x128xi32, #tpu.memory_space<hbm>>
      tpu.enqueue_dma source(%dma_start3A_91 : memref<56x128xi32, #tpu.memory_space<hbm>>) target(%arg7 : memref<56x128xi32, #tpu.memory_space<vmem>>) target_semaphore(%run_scoped3A : memref<!tpu.dma_semaphore, #tpu.memory_space<semaphore_mem>>)
      %dma_wait3A_92 = arith.constant 56 : i32
      %dma_wait3A_93 = arith.constant 0 : i32
      %dma_wait3A_94 = tpu.memref_slice %arg3[%add3A, %dma_wait3A_92, %dma_wait3A_93] : memref<32x112x128xi32, #tpu.memory_space<hbm>> -> memref<1x56x128xi32, #tpu.memory_space<hbm>>
      %dma_wait3A_95 = tpu.memref_squeeze %dma_wait3A_94 : memref<1x56x128xi32, #tpu.memory_space<hbm>> -> memref<56x128xi32, #tpu.memory_space<hbm>>
      %dma_wait3A_96 = arith.constant 56 : i32
      %dma_wait3A_97 = arith.constant 0 : i32
      %dma_wait3A_98 = tpu.memref_slice %arg3[%add3A, %dma_wait3A_96, %dma_wait3A_97] : memref<32x112x128xi32, #tpu.memory_space<hbm>> -> memref<1x56x128xi32, #tpu.memory_space<hbm>>
      %dma_wait3A_99 = tpu.memref_squeeze %dma_wait3A_98 : memref<1x56x128xi32, #tpu.memory_space<hbm>> -> memref<56x128xi32, #tpu.memory_space<hbm>>
      tpu.wait_dma2 semaphore(%run_scoped3A : memref<!tpu.dma_semaphore, #tpu.memory_space<semaphore_mem>>) src(%dma_wait3A_99 : memref<56x128xi32, #tpu.memory_space<hbm>>) dst(%arg7 : memref<56x128xi32, #tpu.memory_space<vmem>>)
      tpu.yield
    }) : () -> ()
    "tpu.region"() ({
      %run_scoped3A = tpu.sem_alloc : memref<!tpu.dma_semaphore, #tpu.memory_space<semaphore_mem>>
      %dma_start3A_84 = arith.constant 56 : i32
      %dma_start3A_85 = arith.constant 0 : i32
      %dma_start3A_86 = tpu.memref_slice %arg4[%add3A, %dma_start3A_84, %dma_start3A_85] : memref<32x112x128xi32, #tpu.memory_space<hbm>> -> memref<1x56x128xi32, #tpu.memory_space<hbm>>
      %dma_start3A_87 = tpu.memref_squeeze %dma_start3A_86 : memref<1x56x128xi32, #tpu.memory_space<hbm>> -> memref<56x128xi32, #tpu.memory_space<hbm>>
      %dma_start3A_88 = arith.constant 56 : i32
      %dma_start3A_89 = arith.constant 0 : i32
      %dma_start3A_90 = tpu.memref_slice %arg4[%add3A, %dma_start3A_88, %dma_start3A_89] : memref<32x112x128xi32, #tpu.memory_space<hbm>> -> memref<1x56x128xi32, #tpu.memory_space<hbm>>
      %dma_start3A_91 = tpu.memref_squeeze %dma_start3A_90 : memref<1x56x128xi32, #tpu.memory_space<hbm>> -> memref<56x128xi32, #tpu.memory_space<hbm>>
      tpu.enqueue_dma source(%dma_start3A_91 : memref<56x128xi32, #tpu.memory_space<hbm>>) target(%arg8 : memref<56x128xi32, #tpu.memory_space<vmem>>) target_semaphore(%run_scoped3A : memref<!tpu.dma_semaphore, #tpu.memory_space<semaphore_mem>>)
      %dma_wait3A_92 = arith.constant 56 : i32
      %dma_wait3A_93 = arith.constant 0 : i32
      %dma_wait3A_94 = tpu.memref_slice %arg4[%add3A, %dma_wait3A_92, %dma_wait3A_93] : memref<32x112x128xi32, #tpu.memory_space<hbm>> -> memref<1x56x128xi32, #tpu.memory_space<hbm>>
      %dma_wait3A_95 = tpu.memref_squeeze %dma_wait3A_94 : memref<1x56x128xi32, #tpu.memory_space<hbm>> -> memref<56x128xi32, #tpu.memory_space<hbm>>
      %dma_wait3A_96 = arith.constant 56 : i32
      %dma_wait3A_97 = arith.constant 0 : i32
      %dma_wait3A_98 = tpu.memref_slice %arg4[%add3A, %dma_wait3A_96, %dma_wait3A_97] : memref<32x112x128xi32, #tpu.memory_space<hbm>> -> memref<1x56x128xi32, #tpu.memory_space<hbm>>
      %dma_wait3A_99 = tpu.memref_squeeze %dma_wait3A_98 : memref<1x56x128xi32, #tpu.memory_space<hbm>> -> memref<56x128xi32, #tpu.memory_space<hbm>>
      tpu.wait_dma2 semaphore(%run_scoped3A : memref<!tpu.dma_semaphore, #tpu.memory_space<semaphore_mem>>) src(%dma_wait3A_99 : memref<56x128xi32, #tpu.memory_space<hbm>>) dst(%arg8 : memref<56x128xi32, #tpu.memory_space<vmem>>)
      tpu.yield
    }) : () -> ()
    %sub3A_57 = arith.constant 56 : i32
    %sub3A_58 = arith.subi %select_n3A, %sub3A_57 : i32
    %jit3A_59 = arith.constant 0 : i32
    %jit3A_60 = arith.constant 56 : i32
    %max3A_61 = arith.maxsi %jit3A_59, %sub3A_58 : i32
    %min3A_62 = arith.minsi %jit3A_60, %max3A_61 : i32
    %while3A_63 = arith.constant 0 : i32
    %while3A_64 = arith.constant 0 : i32
    %while3A_65 = arith.subi %min3A_62, %while3A_64 : i32
    %while3A_66 = arith.addi %while3A_64, %while3A_65 : i32
    %while3A_67 = arith.constant 1 : i32
    %while3A_68 = arith.divsi %while3A_65, %while3A_67 : i32
    %while3A_69 = arith.muli %while3A_68, %while3A_67 : i32
    %while3A_70 = arith.addi %while3A_64, %while3A_69 : i32
    %while3A_71 = arith.constant 1 : i32
    scf.for %while3A_84 = %while3A_64 to %while3A_70 step %while3A_71  : i32 {
      %dma_start3A_85 = arith.constant 0 : i32
      %dma_start3A_86 = tpu.memref_slice %arg7[%while3A_84, %dma_start3A_85] : memref<56x128xi32, #tpu.memory_space<vmem>> -> memref<1x128xi32, #tpu.memory_space<vmem>>
      %dma_start3A_87 = tpu.memref_squeeze %dma_start3A_86 : memref<1x128xi32, #tpu.memory_space<vmem>> -> memref<128xi32, #tpu.memory_space<vmem>>
      %dma_start3A_88 = arith.constant 0 : i32
      %dma_start3A_89 = arith.constant 0 : i32
      %dma_start3A_90 = tpu.memref_slice %arg2[%dma_start3A_88, %dma_start3A_89] : memref<10008x128xf32, #tpu.memory_space<hbm>> -> memref<10008x128xf32, #tpu.memory_space<hbm>>
      tpu.enqueue_indirect_dma source(%dma_start3A_90 : memref<10008x128xf32, #tpu.memory_space<hbm>>) target(%arg9 : memref<128x128xf32, #tpu.memory_space<vmem>>) offsets(%dma_start3A_87 : memref<128xi32, #tpu.memory_space<vmem>>) semaphore(%arg11 : memref<!tpu.dma_semaphore, #tpu.memory_space<semaphore_mem>>)
      %dma_wait3A_91 = arith.constant 0 : i32
      %dma_wait3A_92 = tpu.memref_slice %arg7[%while3A_84, %dma_wait3A_91] : memref<56x128xi32, #tpu.memory_space<vmem>> -> memref<1x128xi32, #tpu.memory_space<vmem>>
      %dma_wait3A_93 = tpu.memref_squeeze %dma_wait3A_92 : memref<1x128xi32, #tpu.memory_space<vmem>> -> memref<128xi32, #tpu.memory_space<vmem>>
      %dma_wait3A_94 = arith.constant 0 : i32
      %dma_wait3A_95 = arith.constant 0 : i32
      %dma_wait3A_96 = tpu.memref_slice %arg2[%dma_wait3A_94, %dma_wait3A_95] : memref<10008x128xf32, #tpu.memory_space<hbm>> -> memref<10008x128xf32, #tpu.memory_space<hbm>>
      tpu.wait_indirect_dma semaphore(%arg11 : memref<!tpu.dma_semaphore, #tpu.memory_space<semaphore_mem>>) src(%dma_wait3A_96 : memref<10008x128xf32, #tpu.memory_space<hbm>>) dst(%arg9 : memref<128x128xf32, #tpu.memory_space<vmem>>)
      "tpu.region"() ({
        %run_scoped3A = tpu.sem_alloc : memref<!tpu.dma_semaphore, #tpu.memory_space<semaphore_mem>>
        %dma_start3A_97 = arith.constant 0 : i32
        %dma_start3A_98 = tpu.memref_slice %arg8[%while3A_84, %dma_start3A_97] : memref<56x128xi32, #tpu.memory_space<vmem>> -> memref<1x128xi32, #tpu.memory_space<vmem>>
        %dma_start3A_99 = tpu.memref_squeeze %dma_start3A_98 : memref<1x128xi32, #tpu.memory_space<vmem>> -> memref<128xi32, #tpu.memory_space<vmem>>
        %dma_start3A_100 = arith.constant 0 : i32
        %dma_start3A_101 = arith.constant 0 : i32
        %dma_start3A_102 = tpu.memref_slice %arg10[%dma_start3A_100, %dma_start3A_101] : memref<10240x128xf32, #tpu.memory_space<vmem_shared>> -> memref<10240x128xf32, #tpu.memory_space<vmem_shared>>
        tpu.enqueue_indirect_dma source(%arg9 : memref<128x128xf32, #tpu.memory_space<vmem>>) target(%dma_start3A_102 : memref<10240x128xf32, #tpu.memory_space<vmem_shared>>) offsets(%dma_start3A_99 : memref<128xi32, #tpu.memory_space<vmem>>) semaphore(%run_scoped3A : memref<!tpu.dma_semaphore, #tpu.memory_space<semaphore_mem>>) {add = true}
        %dma_wait3A_103 = arith.constant 0 : i32
        %dma_wait3A_104 = tpu.memref_slice %arg8[%while3A_84, %dma_wait3A_103] : memref<56x128xi32, #tpu.memory_space<vmem>> -> memref<1x128xi32, #tpu.memory_space<vmem>>
        %dma_wait3A_105 = tpu.memref_squeeze %dma_wait3A_104 : memref<1x128xi32, #tpu.memory_space<vmem>> -> memref<128xi32, #tpu.memory_space<vmem>>
        %dma_wait3A_106 = arith.constant 0 : i32
        %dma_wait3A_107 = arith.constant 0 : i32
        %dma_wait3A_108 = tpu.memref_slice %arg10[%dma_wait3A_106, %dma_wait3A_107] : memref<10240x128xf32, #tpu.memory_space<vmem_shared>> -> memref<10240x128xf32, #tpu.memory_space<vmem_shared>>
        tpu.wait_indirect_dma semaphore(%run_scoped3A : memref<!tpu.dma_semaphore, #tpu.memory_space<semaphore_mem>>) src(%arg9 : memref<128x128xf32, #tpu.memory_space<vmem>>) dst(%dma_wait3A_108 : memref<10240x128xf32, #tpu.memory_space<vmem_shared>>)
        tpu.yield
      }) : () -> ()
    }
    %while3A_72 = arith.constant 1 : i32
    scf.for %while3A_84 = %while3A_70 to %while3A_66 step %while3A_72  : i32 {
      %dma_start3A_85 = arith.constant 0 : i32
      %dma_start3A_86 = tpu.memref_slice %arg7[%while3A_84, %dma_start3A_85] : memref<56x128xi32, #tpu.memory_space<vmem>> -> memref<1x128xi32, #tpu.memory_space<vmem>>
      %dma_start3A_87 = tpu.memref_squeeze %dma_start3A_86 : memref<1x128xi32, #tpu.memory_space<vmem>> -> memref<128xi32, #tpu.memory_space<vmem>>
      %dma_start3A_88 = arith.constant 0 : i32
      %dma_start3A_89 = arith.constant 0 : i32
      %dma_start3A_90 = tpu.memref_slice %arg2[%dma_start3A_88, %dma_start3A_89] : memref<10008x128xf32, #tpu.memory_space<hbm>> -> memref<10008x128xf32, #tpu.memory_space<hbm>>
      tpu.enqueue_indirect_dma source(%dma_start3A_90 : memref<10008x128xf32, #tpu.memory_space<hbm>>) target(%arg9 : memref<128x128xf32, #tpu.memory_space<vmem>>) offsets(%dma_start3A_87 : memref<128xi32, #tpu.memory_space<vmem>>) semaphore(%arg11 : memref<!tpu.dma_semaphore, #tpu.memory_space<semaphore_mem>>)
      %dma_wait3A_91 = arith.constant 0 : i32
      %dma_wait3A_92 = tpu.memref_slice %arg7[%while3A_84, %dma_wait3A_91] : memref<56x128xi32, #tpu.memory_space<vmem>> -> memref<1x128xi32, #tpu.memory_space<vmem>>
      %dma_wait3A_93 = tpu.memref_squeeze %dma_wait3A_92 : memref<1x128xi32, #tpu.memory_space<vmem>> -> memref<128xi32, #tpu.memory_space<vmem>>
      %dma_wait3A_94 = arith.constant 0 : i32
      %dma_wait3A_95 = arith.constant 0 : i32
      %dma_wait3A_96 = tpu.memref_slice %arg2[%dma_wait3A_94, %dma_wait3A_95] : memref<10008x128xf32, #tpu.memory_space<hbm>> -> memref<10008x128xf32, #tpu.memory_space<hbm>>
      tpu.wait_indirect_dma semaphore(%arg11 : memref<!tpu.dma_semaphore, #tpu.memory_space<semaphore_mem>>) src(%dma_wait3A_96 : memref<10008x128xf32, #tpu.memory_space<hbm>>) dst(%arg9 : memref<128x128xf32, #tpu.memory_space<vmem>>)
      "tpu.region"() ({
        %run_scoped3A = tpu.sem_alloc : memref<!tpu.dma_semaphore, #tpu.memory_space<semaphore_mem>>
        %dma_start3A_97 = arith.constant 0 : i32
        %dma_start3A_98 = tpu.memref_slice %arg8[%while3A_84, %dma_start3A_97] : memref<56x128xi32, #tpu.memory_space<vmem>> -> memref<1x128xi32, #tpu.memory_space<vmem>>
        %dma_start3A_99 = tpu.memref_squeeze %dma_start3A_98 : memref<1x128xi32, #tpu.memory_space<vmem>> -> memref<128xi32, #tpu.memory_space<vmem>>
        %dma_start3A_100 = arith.constant 0 : i32
        %dma_start3A_101 = arith.constant 0 : i32
        %dma_start3A_102 = tpu.memref_slice %arg10[%dma_start3A_100, %dma_start3A_101] : memref<10240x128xf32, #tpu.memory_space<vmem_shared>> -> memref<10240x128xf32, #tpu.memory_space<vmem_shared>>
        tpu.enqueue_indirect_dma source(%arg9 : memref<128x128xf32, #tpu.memory_space<vmem>>) target(%dma_start3A_102 : memref<10240x128xf32, #tpu.memory_space<vmem_shared>>) offsets(%dma_start3A_99 : memref<128xi32, #tpu.memory_space<vmem>>) semaphore(%run_scoped3A : memref<!tpu.dma_semaphore, #tpu.memory_space<semaphore_mem>>) {add = true}
        %dma_wait3A_103 = arith.constant 0 : i32
        %dma_wait3A_104 = tpu.memref_slice %arg8[%while3A_84, %dma_wait3A_103] : memref<56x128xi32, #tpu.memory_space<vmem>> -> memref<1x128xi32, #tpu.memory_space<vmem>>
        %dma_wait3A_105 = tpu.memref_squeeze %dma_wait3A_104 : memref<1x128xi32, #tpu.memory_space<vmem>> -> memref<128xi32, #tpu.memory_space<vmem>>
        %dma_wait3A_106 = arith.constant 0 : i32
        %dma_wait3A_107 = arith.constant 0 : i32
        %dma_wait3A_108 = tpu.memref_slice %arg10[%dma_wait3A_106, %dma_wait3A_107] : memref<10240x128xf32, #tpu.memory_space<vmem_shared>> -> memref<10240x128xf32, #tpu.memory_space<vmem_shared>>
        tpu.wait_indirect_dma semaphore(%run_scoped3A : memref<!tpu.dma_semaphore, #tpu.memory_space<semaphore_mem>>) src(%arg9 : memref<128x128xf32, #tpu.memory_space<vmem>>) dst(%dma_wait3A_108 : memref<10240x128xf32, #tpu.memory_space<vmem_shared>>)
        tpu.yield
      }) : () -> ()
    }
    %barrier3A_73 = arith.constant 0 : index
    tpu.barrier barrier_id(%barrier3A_73)
    %add3A_74 = arith.constant 0 : i32
    %add3A_75 = arith.addi %mul3A_19, %add3A_74 : i32
    "tpu.region"() ({
      %run_scoped3A = tpu.sem_alloc : memref<!tpu.dma_semaphore, #tpu.memory_space<semaphore_mem>>
      %dma_start3A_84 = arith.constant 0 : i32
      %dma_start3A_85 = tpu.memref_slice %arg10[%add3A_75, %dma_start3A_84] : memref<10240x128xf32, #tpu.memory_space<vmem_shared>> -> memref<128x128xf32, #tpu.memory_space<vmem_shared>>
      %dma_start3A_86 = arith.constant 0 : i32
      %dma_start3A_87 = tpu.memref_slice %arg10[%add3A_75, %dma_start3A_86] : memref<10240x128xf32, #tpu.memory_space<vmem_shared>> -> memref<128x128xf32, #tpu.memory_space<vmem_shared>>
      tpu.enqueue_dma source(%dma_start3A_87 : memref<128x128xf32, #tpu.memory_space<vmem_shared>>) target(%arg9 : memref<128x128xf32, #tpu.memory_space<vmem>>) target_semaphore(%run_scoped3A : memref<!tpu.dma_semaphore, #tpu.memory_space<semaphore_mem>>)
      %dma_wait3A_88 = arith.constant 0 : i32
      %dma_wait3A_89 = tpu.memref_slice %arg10[%add3A_75, %dma_wait3A_88] : memref<10240x128xf32, #tpu.memory_space<vmem_shared>> -> memref<128x128xf32, #tpu.memory_space<vmem_shared>>
      %dma_wait3A_90 = arith.constant 0 : i32
      %dma_wait3A_91 = tpu.memref_slice %arg10[%add3A_75, %dma_wait3A_90] : memref<10240x128xf32, #tpu.memory_space<vmem_shared>> -> memref<128x128xf32, #tpu.memory_space<vmem_shared>>
      tpu.wait_dma2 semaphore(%run_scoped3A : memref<!tpu.dma_semaphore, #tpu.memory_space<semaphore_mem>>) src(%dma_wait3A_91 : memref<128x128xf32, #tpu.memory_space<vmem_shared>>) dst(%arg9 : memref<128x128xf32, #tpu.memory_space<vmem>>)
      tpu.yield
    }) : () -> ()
    "tpu.region"() ({
      %run_scoped3A = tpu.sem_alloc : memref<!tpu.dma_semaphore, #tpu.memory_space<semaphore_mem>>
      %dma_start3A_84 = arith.constant 0 : i32
      %dma_start3A_85 = tpu.memref_slice %arg6[%arg0, %add3A_75, %dma_start3A_84] : memref<2x10240x128xf32, #tpu.memory_space<hbm>> -> memref<1x128x128xf32, #tpu.memory_space<hbm>>
      %dma_start3A_86 = tpu.memref_squeeze %dma_start3A_85 : memref<1x128x128xf32, #tpu.memory_space<hbm>> -> memref<128x128xf32, #tpu.memory_space<hbm>>
      %dma_start3A_87 = arith.constant 0 : i32
      %dma_start3A_88 = tpu.memref_slice %arg6[%arg0, %add3A_75, %dma_start3A_87] : memref<2x10240x128xf32, #tpu.memory_space<hbm>> -> memref<1x128x128xf32, #tpu.memory_space<hbm>>
      %dma_start3A_89 = tpu.memref_squeeze %dma_start3A_88 : memref<1x128x128xf32, #tpu.memory_space<hbm>> -> memref<128x128xf32, #tpu.memory_space<hbm>>
      tpu.enqueue_dma source(%arg9 : memref<128x128xf32, #tpu.memory_space<vmem>>) target(%dma_start3A_89 : memref<128x128xf32, #tpu.memory_space<hbm>>) target_semaphore(%run_scoped3A : memref<!tpu.dma_semaphore, #tpu.memory_space<semaphore_mem>>)
      %dma_wait3A_90 = arith.constant 0 : i32
      %dma_wait3A_91 = tpu.memref_slice %arg6[%arg0, %add3A_75, %dma_wait3A_90] : memref<2x10240x128xf32, #tpu.memory_space<hbm>> -> memref<1x128x128xf32, #tpu.memory_space<hbm>>
      %dma_wait3A_92 = tpu.memref_squeeze %dma_wait3A_91 : memref<1x128x128xf32, #tpu.memory_space<hbm>> -> memref<128x128xf32, #tpu.memory_space<hbm>>
      %dma_wait3A_93 = arith.constant 0 : i32
      %dma_wait3A_94 = tpu.memref_slice %arg6[%arg0, %add3A_75, %dma_wait3A_93] : memref<2x10240x128xf32, #tpu.memory_space<hbm>> -> memref<1x128x128xf32, #tpu.memory_space<hbm>>
      %dma_wait3A_95 = tpu.memref_squeeze %dma_wait3A_94 : memref<1x128x128xf32, #tpu.memory_space<hbm>> -> memref<128x128xf32, #tpu.memory_space<hbm>>
      tpu.wait_dma2 semaphore(%run_scoped3A : memref<!tpu.dma_semaphore, #tpu.memory_space<semaphore_mem>>) src(%arg9 : memref<128x128xf32, #tpu.memory_space<vmem>>) dst(%dma_wait3A_95 : memref<128x128xf32, #tpu.memory_space<hbm>>)
      tpu.yield
    }) : () -> ()
    %add3A_76 = arith.constant 128 : i32
    %add3A_77 = arith.addi %mul3A_19, %add3A_76 : i32
    "tpu.region"() ({
      %run_scoped3A = tpu.sem_alloc : memref<!tpu.dma_semaphore, #tpu.memory_space<semaphore_mem>>
      %dma_start3A_84 = arith.constant 0 : i32
      %dma_start3A_85 = tpu.memref_slice %arg10[%add3A_77, %dma_start3A_84] : memref<10240x128xf32, #tpu.memory_space<vmem_shared>> -> memref<128x128xf32, #tpu.memory_space<vmem_shared>>
      %dma_start3A_86 = arith.constant 0 : i32
      %dma_start3A_87 = tpu.memref_slice %arg10[%add3A_77, %dma_start3A_86] : memref<10240x128xf32, #tpu.memory_space<vmem_shared>> -> memref<128x128xf32, #tpu.memory_space<vmem_shared>>
      tpu.enqueue_dma source(%dma_start3A_87 : memref<128x128xf32, #tpu.memory_space<vmem_shared>>) target(%arg9 : memref<128x128xf32, #tpu.memory_space<vmem>>) target_semaphore(%run_scoped3A : memref<!tpu.dma_semaphore, #tpu.memory_space<semaphore_mem>>)
      %dma_wait3A_88 = arith.constant 0 : i32
      %dma_wait3A_89 = tpu.memref_slice %arg10[%add3A_77, %dma_wait3A_88] : memref<10240x128xf32, #tpu.memory_space<vmem_shared>> -> memref<128x128xf32, #tpu.memory_space<vmem_shared>>
      %dma_wait3A_90 = arith.constant 0 : i32
      %dma_wait3A_91 = tpu.memref_slice %arg10[%add3A_77, %dma_wait3A_90] : memref<10240x128xf32, #tpu.memory_space<vmem_shared>> -> memref<128x128xf32, #tpu.memory_space<vmem_shared>>
      tpu.wait_dma2 semaphore(%run_scoped3A : memref<!tpu.dma_semaphore, #tpu.memory_space<semaphore_mem>>) src(%dma_wait3A_91 : memref<128x128xf32, #tpu.memory_space<vmem_shared>>) dst(%arg9 : memref<128x128xf32, #tpu.memory_space<vmem>>)
      tpu.yield
    }) : () -> ()
    "tpu.region"() ({
      %run_scoped3A = tpu.sem_alloc : memref<!tpu.dma_semaphore, #tpu.memory_space<semaphore_mem>>
      %dma_start3A_84 = arith.constant 0 : i32
      %dma_start3A_85 = tpu.memref_slice %arg6[%arg0, %add3A_77, %dma_start3A_84] : memref<2x10240x128xf32, #tpu.memory_space<hbm>> -> memref<1x128x128xf32, #tpu.memory_space<hbm>>
      %dma_start3A_86 = tpu.memref_squeeze %dma_start3A_85 : memref<1x128x128xf32, #tpu.memory_space<hbm>> -> memref<128x128xf32, #tpu.memory_space<hbm>>
      %dma_start3A_87 = arith.constant 0 : i32
      %dma_start3A_88 = tpu.memref_slice %arg6[%arg0, %add3A_77, %dma_start3A_87] : memref<2x10240x128xf32, #tpu.memory_space<hbm>> -> memref<1x128x128xf32, #tpu.memory_space<hbm>>
      %dma_start3A_89 = tpu.memref_squeeze %dma_start3A_88 : memref<1x128x128xf32, #tpu.memory_space<hbm>> -> memref<128x128xf32, #tpu.memory_space<hbm>>
      tpu.enqueue_dma source(%arg9 : memref<128x128xf32, #tpu.memory_space<vmem>>) target(%dma_start3A_89 : memref<128x128xf32, #tpu.memory_space<hbm>>) target_semaphore(%run_scoped3A : memref<!tpu.dma_semaphore, #tpu.memory_space<semaphore_mem>>)
      %dma_wait3A_90 = arith.constant 0 : i32
      %dma_wait3A_91 = tpu.memref_slice %arg6[%arg0, %add3A_77, %dma_wait3A_90] : memref<2x10240x128xf32, #tpu.memory_space<hbm>> -> memref<1x128x128xf32, #tpu.memory_space<hbm>>
      %dma_wait3A_92 = tpu.memref_squeeze %dma_wait3A_91 : memref<1x128x128xf32, #tpu.memory_space<hbm>> -> memref<128x128xf32, #tpu.memory_space<hbm>>
      %dma_wait3A_93 = arith.constant 0 : i32
      %dma_wait3A_94 = tpu.memref_slice %arg6[%arg0, %add3A_77, %dma_wait3A_93] : memref<2x10240x128xf32, #tpu.memory_space<hbm>> -> memref<1x128x128xf32, #tpu.memory_space<hbm>>
      %dma_wait3A_95 = tpu.memref_squeeze %dma_wait3A_94 : memref<1x128x128xf32, #tpu.memory_space<hbm>> -> memref<128x128xf32, #tpu.memory_space<hbm>>
      tpu.wait_dma2 semaphore(%run_scoped3A : memref<!tpu.dma_semaphore, #tpu.memory_space<semaphore_mem>>) src(%arg9 : memref<128x128xf32, #tpu.memory_space<vmem>>) dst(%dma_wait3A_95 : memref<128x128xf32, #tpu.memory_space<hbm>>)
      tpu.yield
    }) : () -> ()
    %add3A_78 = arith.constant 256 : i32
    %add3A_79 = arith.addi %mul3A_19, %add3A_78 : i32
    "tpu.region"() ({
      %run_scoped3A = tpu.sem_alloc : memref<!tpu.dma_semaphore, #tpu.memory_space<semaphore_mem>>
      %dma_start3A_84 = arith.constant 0 : i32
      %dma_start3A_85 = tpu.memref_slice %arg10[%add3A_79, %dma_start3A_84] : memref<10240x128xf32, #tpu.memory_space<vmem_shared>> -> memref<128x128xf32, #tpu.memory_space<vmem_shared>>
      %dma_start3A_86 = arith.constant 0 : i32
      %dma_start3A_87 = tpu.memref_slice %arg10[%add3A_79, %dma_start3A_86] : memref<10240x128xf32, #tpu.memory_space<vmem_shared>> -> memref<128x128xf32, #tpu.memory_space<vmem_shared>>
      tpu.enqueue_dma source(%dma_start3A_87 : memref<128x128xf32, #tpu.memory_space<vmem_shared>>) target(%arg9 : memref<128x128xf32, #tpu.memory_space<vmem>>) target_semaphore(%run_scoped3A : memref<!tpu.dma_semaphore, #tpu.memory_space<semaphore_mem>>)
      %dma_wait3A_88 = arith.constant 0 : i32
      %dma_wait3A_89 = tpu.memref_slice %arg10[%add3A_79, %dma_wait3A_88] : memref<10240x128xf32, #tpu.memory_space<vmem_shared>> -> memref<128x128xf32, #tpu.memory_space<vmem_shared>>
      %dma_wait3A_90 = arith.constant 0 : i32
      %dma_wait3A_91 = tpu.memref_slice %arg10[%add3A_79, %dma_wait3A_90] : memref<10240x128xf32, #tpu.memory_space<vmem_shared>> -> memref<128x128xf32, #tpu.memory_space<vmem_shared>>
      tpu.wait_dma2 semaphore(%run_scoped3A : memref<!tpu.dma_semaphore, #tpu.memory_space<semaphore_mem>>) src(%dma_wait3A_91 : memref<128x128xf32, #tpu.memory_space<vmem_shared>>) dst(%arg9 : memref<128x128xf32, #tpu.memory_space<vmem>>)
      tpu.yield
    }) : () -> ()
    "tpu.region"() ({
      %run_scoped3A = tpu.sem_alloc : memref<!tpu.dma_semaphore, #tpu.memory_space<semaphore_mem>>
      %dma_start3A_84 = arith.constant 0 : i32
      %dma_start3A_85 = tpu.memref_slice %arg6[%arg0, %add3A_79, %dma_start3A_84] : memref<2x10240x128xf32, #tpu.memory_space<hbm>> -> memref<1x128x128xf32, #tpu.memory_space<hbm>>
      %dma_start3A_86 = tpu.memref_squeeze %dma_start3A_85 : memref<1x128x128xf32, #tpu.memory_space<hbm>> -> memref<128x128xf32, #tpu.memory_space<hbm>>
      %dma_start3A_87 = arith.constant 0 : i32
      %dma_start3A_88 = tpu.memref_slice %arg6[%arg0, %add3A_79, %dma_start3A_87] : memref<2x10240x128xf32, #tpu.memory_space<hbm>> -> memref<1x128x128xf32, #tpu.memory_space<hbm>>
      %dma_start3A_89 = tpu.memref_squeeze %dma_start3A_88 : memref<1x128x128xf32, #tpu.memory_space<hbm>> -> memref<128x128xf32, #tpu.memory_space<hbm>>
      tpu.enqueue_dma source(%arg9 : memref<128x128xf32, #tpu.memory_space<vmem>>) target(%dma_start3A_89 : memref<128x128xf32, #tpu.memory_space<hbm>>) target_semaphore(%run_scoped3A : memref<!tpu.dma_semaphore, #tpu.memory_space<semaphore_mem>>)
      %dma_wait3A_90 = arith.constant 0 : i32
      %dma_wait3A_91 = tpu.memref_slice %arg6[%arg0, %add3A_79, %dma_wait3A_90] : memref<2x10240x128xf32, #tpu.memory_space<hbm>> -> memref<1x128x128xf32, #tpu.memory_space<hbm>>
      %dma_wait3A_92 = tpu.memref_squeeze %dma_wait3A_91 : memref<1x128x128xf32, #tpu.memory_space<hbm>> -> memref<128x128xf32, #tpu.memory_space<hbm>>
      %dma_wait3A_93 = arith.constant 0 : i32
      %dma_wait3A_94 = tpu.memref_slice %arg6[%arg0, %add3A_79, %dma_wait3A_93] : memref<2x10240x128xf32, #tpu.memory_space<hbm>> -> memref<1x128x128xf32, #tpu.memory_space<hbm>>
      %dma_wait3A_95 = tpu.memref_squeeze %dma_wait3A_94 : memref<1x128x128xf32, #tpu.memory_space<hbm>> -> memref<128x128xf32, #tpu.memory_space<hbm>>
      tpu.wait_dma2 semaphore(%run_scoped3A : memref<!tpu.dma_semaphore, #tpu.memory_space<semaphore_mem>>) src(%arg9 : memref<128x128xf32, #tpu.memory_space<vmem>>) dst(%dma_wait3A_95 : memref<128x128xf32, #tpu.memory_space<hbm>>)
      tpu.yield
    }) : () -> ()
    %add3A_80 = arith.constant 384 : i32
    %add3A_81 = arith.addi %mul3A_19, %add3A_80 : i32
    "tpu.region"() ({
      %run_scoped3A = tpu.sem_alloc : memref<!tpu.dma_semaphore, #tpu.memory_space<semaphore_mem>>
      %dma_start3A_84 = arith.constant 0 : i32
      %dma_start3A_85 = tpu.memref_slice %arg10[%add3A_81, %dma_start3A_84] : memref<10240x128xf32, #tpu.memory_space<vmem_shared>> -> memref<128x128xf32, #tpu.memory_space<vmem_shared>>
      %dma_start3A_86 = arith.constant 0 : i32
      %dma_start3A_87 = tpu.memref_slice %arg10[%add3A_81, %dma_start3A_86] : memref<10240x128xf32, #tpu.memory_space<vmem_shared>> -> memref<128x128xf32, #tpu.memory_space<vmem_shared>>
      tpu.enqueue_dma source(%dma_start3A_87 : memref<128x128xf32, #tpu.memory_space<vmem_shared>>) target(%arg9 : memref<128x128xf32, #tpu.memory_space<vmem>>) target_semaphore(%run_scoped3A : memref<!tpu.dma_semaphore, #tpu.memory_space<semaphore_mem>>)
      %dma_wait3A_88 = arith.constant 0 : i32
      %dma_wait3A_89 = tpu.memref_slice %arg10[%add3A_81, %dma_wait3A_88] : memref<10240x128xf32, #tpu.memory_space<vmem_shared>> -> memref<128x128xf32, #tpu.memory_space<vmem_shared>>
      %dma_wait3A_90 = arith.constant 0 : i32
      %dma_wait3A_91 = tpu.memref_slice %arg10[%add3A_81, %dma_wait3A_90] : memref<10240x128xf32, #tpu.memory_space<vmem_shared>> -> memref<128x128xf32, #tpu.memory_space<vmem_shared>>
      tpu.wait_dma2 semaphore(%run_scoped3A : memref<!tpu.dma_semaphore, #tpu.memory_space<semaphore_mem>>) src(%dma_wait3A_91 : memref<128x128xf32, #tpu.memory_space<vmem_shared>>) dst(%arg9 : memref<128x128xf32, #tpu.memory_space<vmem>>)
      tpu.yield
    }) : () -> ()
    "tpu.region"() ({
      %run_scoped3A = tpu.sem_alloc : memref<!tpu.dma_semaphore, #tpu.memory_space<semaphore_mem>>
      %dma_start3A_84 = arith.constant 0 : i32
      %dma_start3A_85 = tpu.memref_slice %arg6[%arg0, %add3A_81, %dma_start3A_84] : memref<2x10240x128xf32, #tpu.memory_space<hbm>> -> memref<1x128x128xf32, #tpu.memory_space<hbm>>
      %dma_start3A_86 = tpu.memref_squeeze %dma_start3A_85 : memref<1x128x128xf32, #tpu.memory_space<hbm>> -> memref<128x128xf32, #tpu.memory_space<hbm>>
      %dma_start3A_87 = arith.constant 0 : i32
      %dma_start3A_88 = tpu.memref_slice %arg6[%arg0, %add3A_81, %dma_start3A_87] : memref<2x10240x128xf32, #tpu.memory_space<hbm>> -> memref<1x128x128xf32, #tpu.memory_space<hbm>>
      %dma_start3A_89 = tpu.memref_squeeze %dma_start3A_88 : memref<1x128x128xf32, #tpu.memory_space<hbm>> -> memref<128x128xf32, #tpu.memory_space<hbm>>
      tpu.enqueue_dma source(%arg9 : memref<128x128xf32, #tpu.memory_space<vmem>>) target(%dma_start3A_89 : memref<128x128xf32, #tpu.memory_space<hbm>>) target_semaphore(%run_scoped3A : memref<!tpu.dma_semaphore, #tpu.memory_space<semaphore_mem>>)
      %dma_wait3A_90 = arith.constant 0 : i32
      %dma_wait3A_91 = tpu.memref_slice %arg6[%arg0, %add3A_81, %dma_wait3A_90] : memref<2x10240x128xf32, #tpu.memory_space<hbm>> -> memref<1x128x128xf32, #tpu.memory_space<hbm>>
      %dma_wait3A_92 = tpu.memref_squeeze %dma_wait3A_91 : memref<1x128x128xf32, #tpu.memory_space<hbm>> -> memref<128x128xf32, #tpu.memory_space<hbm>>
      %dma_wait3A_93 = arith.constant 0 : i32
      %dma_wait3A_94 = tpu.memref_slice %arg6[%arg0, %add3A_81, %dma_wait3A_93] : memref<2x10240x128xf32, #tpu.memory_space<hbm>> -> memref<1x128x128xf32, #tpu.memory_space<hbm>>
      %dma_wait3A_95 = tpu.memref_squeeze %dma_wait3A_94 : memref<1x128x128xf32, #tpu.memory_space<hbm>> -> memref<128x128xf32, #tpu.memory_space<hbm>>
      tpu.wait_dma2 semaphore(%run_scoped3A : memref<!tpu.dma_semaphore, #tpu.memory_space<semaphore_mem>>) src(%arg9 : memref<128x128xf32, #tpu.memory_space<vmem>>) dst(%dma_wait3A_95 : memref<128x128xf32, #tpu.memory_space<hbm>>)
      tpu.yield
    }) : () -> ()
    %add3A_82 = arith.constant 512 : i32
    %add3A_83 = arith.addi %mul3A_19, %add3A_82 : i32
    "tpu.region"() ({
      %run_scoped3A = tpu.sem_alloc : memref<!tpu.dma_semaphore, #tpu.memory_space<semaphore_mem>>
      %dma_start3A_84 = arith.constant 0 : i32
      %dma_start3A_85 = tpu.memref_slice %arg10[%add3A_83, %dma_start3A_84] : memref<10240x128xf32, #tpu.memory_space<vmem_shared>> -> memref<128x128xf32, #tpu.memory_space<vmem_shared>>
      %dma_start3A_86 = arith.constant 0 : i32
      %dma_start3A_87 = tpu.memref_slice %arg10[%add3A_83, %dma_start3A_86] : memref<10240x128xf32, #tpu.memory_space<vmem_shared>> -> memref<128x128xf32, #tpu.memory_space<vmem_shared>>
      tpu.enqueue_dma source(%dma_start3A_87 : memref<128x128xf32, #tpu.memory_space<vmem_shared>>) target(%arg9 : memref<128x128xf32, #tpu.memory_space<vmem>>) target_semaphore(%run_scoped3A : memref<!tpu.dma_semaphore, #tpu.memory_space<semaphore_mem>>)
      %dma_wait3A_88 = arith.constant 0 : i32
      %dma_wait3A_89 = tpu.memref_slice %arg10[%add3A_83, %dma_wait3A_88] : memref<10240x128xf32, #tpu.memory_space<vmem_shared>> -> memref<128x128xf32, #tpu.memory_space<vmem_shared>>
      %dma_wait3A_90 = arith.constant 0 : i32
      %dma_wait3A_91 = tpu.memref_slice %arg10[%add3A_83, %dma_wait3A_90] : memref<10240x128xf32, #tpu.memory_space<vmem_shared>> -> memref<128x128xf32, #tpu.memory_space<vmem_shared>>
      tpu.wait_dma2 semaphore(%run_scoped3A : memref<!tpu.dma_semaphore, #tpu.memory_space<semaphore_mem>>) src(%dma_wait3A_91 : memref<128x128xf32, #tpu.memory_space<vmem_shared>>) dst(%arg9 : memref<128x128xf32, #tpu.memory_space<vmem>>)
      tpu.yield
    }) : () -> ()
    "tpu.region"() ({
      %run_scoped3A = tpu.sem_alloc : memref<!tpu.dma_semaphore, #tpu.memory_space<semaphore_mem>>
      %dma_start3A_84 = arith.constant 0 : i32
      %dma_start3A_85 = tpu.memref_slice %arg6[%arg0, %add3A_83, %dma_start3A_84] : memref<2x10240x128xf32, #tpu.memory_space<hbm>> -> memref<1x128x128xf32, #tpu.memory_space<hbm>>
      %dma_start3A_86 = tpu.memref_squeeze %dma_start3A_85 : memref<1x128x128xf32, #tpu.memory_space<hbm>> -> memref<128x128xf32, #tpu.memory_space<hbm>>
      %dma_start3A_87 = arith.constant 0 : i32
      %dma_start3A_88 = tpu.memref_slice %arg6[%arg0, %add3A_83, %dma_start3A_87] : memref<2x10240x128xf32, #tpu.memory_space<hbm>> -> memref<1x128x128xf32, #tpu.memory_space<hbm>>
      %dma_start3A_89 = tpu.memref_squeeze %dma_start3A_88 : memref<1x128x128xf32, #tpu.memory_space<hbm>> -> memref<128x128xf32, #tpu.memory_space<hbm>>
      tpu.enqueue_dma source(%arg9 : memref<128x128xf32, #tpu.memory_space<vmem>>) target(%dma_start3A_89 : memref<128x128xf32, #tpu.memory_space<hbm>>) target_semaphore(%run_scoped3A : memref<!tpu.dma_semaphore, #tpu.memory_space<semaphore_mem>>)
      %dma_wait3A_90 = arith.constant 0 : i32
      %dma_wait3A_91 = tpu.memref_slice %arg6[%arg0, %add3A_83, %dma_wait3A_90] : memref<2x10240x128xf32, #tpu.memory_space<hbm>> -> memref<1x128x128xf32, #tpu.memory_space<hbm>>
      %dma_wait3A_92 = tpu.memref_squeeze %dma_wait3A_91 : memref<1x128x128xf32, #tpu.memory_space<hbm>> -> memref<128x128xf32, #tpu.memory_space<hbm>>
      %dma_wait3A_93 = arith.constant 0 : i32
      %dma_wait3A_94 = tpu.memref_slice %arg6[%arg0, %add3A_83, %dma_wait3A_93] : memref<2x10240x128xf32, #tpu.memory_space<hbm>> -> memref<1x128x128xf32, #tpu.memory_space<hbm>>
      %dma_wait3A_95 = tpu.memref_squeeze %dma_wait3A_94 : memref<1x128x128xf32, #tpu.memory_space<hbm>> -> memref<128x128xf32, #tpu.memory_space<hbm>>
      tpu.wait_dma2 semaphore(%run_scoped3A : memref<!tpu.dma_semaphore, #tpu.memory_space<semaphore_mem>>) src(%arg9 : memref<128x128xf32, #tpu.memory_space<vmem>>) dst(%dma_wait3A_95 : memref<128x128xf32, #tpu.memory_space<hbm>>)
      tpu.yield
    }) : () -> ()
    return
  }
}

module attributes {stable_mosaic.version = 14 : i64} {
  func.func @_logmap0_body(%arg0: i32, %arg1: memref<1000x128xf32, #tpu.memory_space<vmem>>, %arg2: memref<1000x128xf32, #tpu.memory_space<vmem>>) attributes {dimension_semantics = [#tpu.dimension_semantics<arbitrary>], iteration_bounds = array<i64: 10>, scalar_prefetch = 0 : i64, scratch_operands = 0 : i64, tpu.core_type = #tpu.core_type<tc>, window_params = [{transform_indices = @transform_0, window_bounds = array<i64: 1000, 128>}, {transform_indices = @transform_1, window_bounds = array<i64: 1000, 128>}]} {
    %get3A = arith.constant 0 : index
    %get3A_0 = arith.constant 0 : index
    %get3A_1 = vector.load %arg1[%get3A, %get3A_0] : memref<1000x128xf32, #tpu.memory_space<vmem>>, vector<1000x128xf32>
    %mul3A = arith.mulf %get3A_1, %get3A_1 : vector<1000x128xf32>
    %reduce_sum3A = arith.constant dense<0.000000e+00> : vector<1000xf32>
    %reduce_sum3A_2 = vector.multi_reduction <add>, %mul3A, %reduce_sum3A [1] : vector<1000x128xf32> to vector<1000xf32>
    %broadcast_in_dim3A = vector.shape_cast %reduce_sum3A_2 : vector<1000xf32> to vector<1000x1xf32>
    %sqrt3A = math.sqrt %broadcast_in_dim3A : vector<1000x1xf32>
    %max3A = arith.constant 1.000000e-15 : f32
    %max3A_3 = vector.broadcast %max3A : f32 to vector<1000x1xf32>
    %max3A_4 = arith.maximumf %sqrt3A, %max3A_3 : vector<1000x1xf32>
    %min3A = arith.constant 0.999989986 : f32
    %min3A_5 = vector.broadcast %min3A : f32 to vector<1000x1xf32>
    %min3A_6 = arith.minimumf %max3A_4, %min3A_5 : vector<1000x1xf32>
    %add3A = arith.constant 1.000000e+00 : f32
    %add3A_7 = vector.broadcast %add3A : f32 to vector<1000x1xf32>
    %add3A_8 = arith.addf %add3A_7, %min3A_6 : vector<1000x1xf32>
    %sub3A = arith.constant 1.000000e+00 : f32
    %sub3A_9 = vector.broadcast %sub3A : f32 to vector<1000x1xf32>
    %sub3A_10 = arith.subf %sub3A_9, %min3A_6 : vector<1000x1xf32>
    %div3A = arith.divf %add3A_8, %sub3A_10 : vector<1000x1xf32>
    %log3A = math.log %div3A : vector<1000x1xf32>
    %mul3A_11 = arith.constant 5.000000e-01 : f32
    %mul3A_12 = vector.broadcast %mul3A_11 : f32 to vector<1000x1xf32>
    %mul3A_13 = arith.mulf %mul3A_12, %log3A : vector<1000x1xf32>
    %mul3A_14 = vector.broadcast %mul3A_13 : vector<1000x1xf32> to vector<1000x128xf32>
    %mul3A_15 = arith.mulf %mul3A_14, %get3A_1 : vector<1000x128xf32>
    %div3A_16 = vector.broadcast %max3A_4 : vector<1000x1xf32> to vector<1000x128xf32>
    %div3A_17 = arith.divf %mul3A_15, %div3A_16 : vector<1000x128xf32>
    %swap3A = arith.constant 0 : index
    %swap3A_18 = arith.constant 0 : index
    %swap3A_19 = vector.load %arg2[%swap3A, %swap3A_18] : memref<1000x128xf32, #tpu.memory_space<vmem>>, vector<1000x128xf32>
    tpu.vector_store %arg2[%swap3A, %swap3A_18], %div3A_17 {strides = array<i32>} : memref<1000x128xf32, #tpu.memory_space<vmem>>, vector<1000x128xf32>,
    return
  }
  func.func @transform_0(%arg0: i32) -> (i32, i32) {
    %c0_i32 = arith.constant 0 : i32
    %c0_i32_0 = arith.constant 0 : i32
    return %arg0, %c0_i32 : i32, i32
  }
  func.func @transform_1(%arg0: i32) -> (i32, i32) {
    %c0_i32 = arith.constant 0 : i32
    %c0_i32_0 = arith.constant 0 : i32
    return %arg0, %c0_i32 : i32, i32
  }
}

module attributes {stable_mosaic.version = 14 : i64} {
  func.func @_expmap_proj_body(%arg0: i32, %arg1: memref<2x1000x128xf32, #tpu.memory_space<vmem>>, %arg2: memref<1000x128xf32, #tpu.memory_space<vmem>>) attributes {dimension_semantics = [#tpu.dimension_semantics<arbitrary>], iteration_bounds = array<i64: 10>, scalar_prefetch = 0 : i64, scratch_operands = 0 : i64, tpu.core_type = #tpu.core_type<tc>, window_params = [{transform_indices = @transform_0, window_bounds = array<i64: 2, 1000, 128>}, {transform_indices = @transform_1, window_bounds = array<i64: 1000, 128>}]} {
    %get3A = arith.constant 0 : index
    %get3A_0 = arith.constant 0 : index
    %get3A_1 = arith.constant 0 : index
    %get3A_2 = vector.load %arg1[%get3A, %get3A_0, %get3A_1] : memref<2x1000x128xf32, #tpu.memory_space<vmem>>, vector<1x1000x128xf32>
    %get3A_3 = vector.shape_cast %get3A_2 : vector<1x1000x128xf32> to vector<1000x128xf32>
    %get3A_4 = arith.constant 1 : index
    %get3A_5 = arith.constant 0 : index
    %get3A_6 = arith.constant 0 : index
    %get3A_7 = vector.load %arg1[%get3A_4, %get3A_5, %get3A_6] : memref<2x1000x128xf32, #tpu.memory_space<vmem>>, vector<1x1000x128xf32>
    %get3A_8 = vector.shape_cast %get3A_7 : vector<1x1000x128xf32> to vector<1000x128xf32>
    %add3A = arith.addf %get3A_3, %get3A_8 : vector<1000x128xf32>
    %mul3A = arith.mulf %add3A, %add3A : vector<1000x128xf32>
    %reduce_sum3A = arith.constant dense<0.000000e+00> : vector<1000xf32>
    %reduce_sum3A_9 = vector.multi_reduction <add>, %mul3A, %reduce_sum3A [1] : vector<1000x128xf32> to vector<1000xf32>
    %broadcast_in_dim3A = vector.shape_cast %reduce_sum3A_9 : vector<1000xf32> to vector<1000x1xf32>
    %sqrt3A = math.sqrt %broadcast_in_dim3A : vector<1000x1xf32>
    %max3A = arith.constant 1.000000e-15 : f32
    %max3A_10 = vector.broadcast %max3A : f32 to vector<1000x1xf32>
    %max3A_11 = arith.maximumf %sqrt3A, %max3A_10 : vector<1000x1xf32>
    %tanh3A = math.tanh %max3A_11 : vector<1000x1xf32>
    %mul3A_12 = vector.broadcast %tanh3A : vector<1000x1xf32> to vector<1000x128xf32>
    %mul3A_13 = arith.mulf %mul3A_12, %add3A : vector<1000x128xf32>
    %div3A = vector.broadcast %max3A_11 : vector<1000x1xf32> to vector<1000x128xf32>
    %div3A_14 = arith.divf %mul3A_13, %div3A : vector<1000x128xf32>
    %mul3A_15 = arith.mulf %div3A_14, %div3A_14 : vector<1000x128xf32>
    %reduce_sum3A_16 = arith.constant dense<0.000000e+00> : vector<1000xf32>
    %reduce_sum3A_17 = vector.multi_reduction <add>, %mul3A_15, %reduce_sum3A_16 [1] : vector<1000x128xf32> to vector<1000xf32>
    %broadcast_in_dim3A_18 = vector.shape_cast %reduce_sum3A_17 : vector<1000xf32> to vector<1000x1xf32>
    %sqrt3A_19 = math.sqrt %broadcast_in_dim3A_18 : vector<1000x1xf32>
    %max3A_20 = arith.constant 1.000000e-15 : f32
    %max3A_21 = vector.broadcast %max3A_20 : f32 to vector<1000x1xf32>
    %max3A_22 = arith.maximumf %sqrt3A_19, %max3A_21 : vector<1000x1xf32>
    %gt3A = arith.constant 0.995999991 : f32
    %gt3A_23 = vector.broadcast %gt3A : f32 to vector<1000x1xf32>
    %gt3A_24 = arith.cmpf ogt, %max3A_22, %gt3A_23 : vector<1000x1xf32>
    %div3A_25 = vector.broadcast %max3A_22 : vector<1000x1xf32> to vector<1000x128xf32>
    %div3A_26 = arith.divf %div3A_14, %div3A_25 : vector<1000x128xf32>
    %mul3A_27 = arith.constant 0.995999991 : f32
    %mul3A_28 = vector.broadcast %mul3A_27 : f32 to vector<1000x128xf32>
    %mul3A_29 = arith.mulf %div3A_26, %mul3A_28 : vector<1000x128xf32>
    %broadcast_in_dim3A_30 = vector.shape_cast %gt3A_24 : vector<1000x1xi1> to vector<1000x1xi1>
    %broadcast_in_dim3A_31 = vector.broadcast %broadcast_in_dim3A_30 : vector<1000x1xi1> to vector<1000x128xi1>
    %select_n3A = arith.select %broadcast_in_dim3A_31, %mul3A_29, %div3A_14 : vector<1000x128xi1>, vector<1000x128xf32>
    %swap3A = arith.constant 0 : index
    %swap3A_32 = arith.constant 0 : index
    %swap3A_33 = vector.load %arg2[%swap3A, %swap3A_32] : memref<1000x128xf32, #tpu.memory_space<vmem>>, vector<1000x128xf32>
    tpu.vector_store %arg2[%swap3A, %swap3A_32], %select_n3A {strides = array<i32>} : memref<1000x128xf32, #tpu.memory_space<vmem>>, vector<1000x128xf32>,
    return
  }
  func.func @transform_0(%arg0: i32) -> (i32, i32, i32) {
    %c0_i32 = arith.constant 0 : i32
    %c0_i32_0 = arith.constant 0 : i32
    %c0_i32_1 = arith.constant 0 : i32
    return %c0_i32, %arg0, %c0_i32_0 : i32, i32, i32
  }
  func.func @transform_1(%arg0: i32) -> (i32, i32) {
    %c0_i32 = arith.constant 0 : i32
    %c0_i32_0 = arith.constant 0 : i32
    return %arg0, %c0_i32 : i32, i32
  }
}

</mosaic_0001>

<sc_bundles>
// kernel: kernel.5.cloned.1.call-start
scs
__scs_entry_jumppad:
0x0: {  	(pc) =	sbr.rel $0x88, $3  }
0x1: {  	(tag) =	ssettag $0x0;
	lr =	simm.s32 $0x1  }
0x2: {  	[smem:$0x3F9F] =	sst lr;
	_ =	strace $0xD0000000  }
0x3: {  	_ = 	snop  }
0x4: {  	_ = 	snop  }
0x5: {  	_ = 	snop  }
0x6: {  	_ = 	snop  }
0x7: {  	_ = 	snop  }
__scs_overlays_trampoline_lowered:
0x8: {  	[smem:$0x3FAE] =	sst s0  }
0x9: {  	[smem:$0x3FAF] =	sst s1  }
0xa: {  	[smem:$0x3FB0] =	sst s2  }
0xb: {  	[smem:$0x3FB1] =	sst s3  }
0xc: {  	[smem:$0x3FB2] =	sst s4  }
0xd: {  	[smem:$0x3FB3] =	sst s5  }
0xe: {  	[smem:$0x3FB4] =	sst s6  }
0xf: {  	[smem:$0x3FB5] =	sst s7  }
0x10: {  	[smem:$0x3FB6] =	sst s8  }
0x11: {  	[smem:$0x3FB7] =	sst s9;
	s0 =	simm.s32 @!p0 $0x0  }
0x12: {  	s1 =	sld [smem:$0x3F9D];
	s0 =	simm.s32 @p0 $0x1  }
0x13: {  	[smem:$0x3FB8] =	sst s0;
	s0 =	simm.s32 @!p1 $0x0  }
0x14: {  	s2 =	sld [smem:$0x3F9C];
	s0 =	simm.s32 @p1 $0x1  }
0x15: {  	[smem:$0x3FB9] =	sst s0;
	s0 =	simm.s32 @!p2 $0x0  }
0x16: {  	s3 =	sld [smem:$0x3FDB];
	s0 =	simm.s32 @p2 $0x1  }
0x17: {  	s4 =	simm.s32 $0x1BF5;
	[smem:$0x3FBB] =	sst s0  }
0x18: {  	s0 =	sld [smem:$0x3F9E];
	_ =	swait.ge [sflag:s4], $0x0  }
0x19: {  	s7 =	sld [smem:$0x3F9F]  }
0x1a: {  	s8 =	sadd.s32 $0xFFFFE003, lr  }
0x1b: {  	s9 =	sadd.s32 $0xFFFFFEF7, lr;
	s5 =	simm.s32 $0xFFFFFFFF;
	p2 =	slt.u32 s8, $0xFFFFF086  }
0x1c: {  	p1 =	slt.u32 s9, $0xF7A;
	s5 =	simm.s32 @!p2 $0x0  }
0x1d: {  	s5 =	simm.s32 @p1 $0x1;
	p0 =	seq.s32 s7, s2  }
0x1e: {  	s7 =	smul.u32 @!p0 $0xF7A, s2;
	p2 =	seq.s32 @!p0 s5, $0x0  }
0x1f: {  	s9 =	smul.u32 $0xF7A, s1;
	s8 =	simm.s32 @!p0 $0x1BF5;
	p2 =	por !p2, p0  }
0x20: {  	[sflag:s8] =	ssyncset.s32 @!p0 $0xFFFFF086;
	s6 =	sadd.s32 @!p0 s3, s7;
	s7 =	simm.s32 @!p0 $0x108  }
0x21: {  	s3 =	sadd.s32 s3, s9;
	s6 =	sadd.s32 @!p0 $0x88, s6;
	s7 =	simm.s32 @p2 $0x1082  }
0x22: {  	[simem:s7], [sflag:s8] =	dma.local @!p0 [hbm:s6], $0xF7A  }
0x23: {  	s9 =	sor.u32 $0xD0000000, s2;
	s6 =	simm.s32 $0x108;
	_ =	swait.ge @!p0 [sflag:s8], $0x0  }
0x24: {  	s3 =	sadd.s32 $0x88, s3;
	s6 =	simm.s32 @!p1 $0x1082;
	[sflag:s4] =	ssyncset.s32 $0xFFFFF086  }
0x25: {  	[simem:s6], [sflag:s4] =	dma.local [hbm:s3], $0xF7A  }
0x26: {  	[smem:$0x3F9F] =	sst s1;
	(tag) =	ssettag s2;
	_ =	strace s9  }
0x27: {  	s1 =	sld [smem:$0x3FAF]  }
0x28: {  	s2 =	sld [smem:$0x3FB0]  }
0x29: {  	s4 =	sld [smem:$0x3FB2]  }
0x2a: {  	p0 =	seq.s32 s5, $0x0;
	s5 =	sld [smem:$0x3FB3]  }
0x2b: {  	s6 =	sld [smem:$0x3FB4]  }
0x2c: {  	s7 =	sld [smem:$0x3FB5]  }
0x2d: {  	s3 =	simm.s32 $0x108;
	s8 =	sld [smem:$0x3FB6]  }
0x2e: {  	s3 =	simm.s32 @!p0 $0x1082;
	s9 =	sld [smem:$0x3FB7]  }
0x2f: {  	lr =	sadd.s32 s0, s3;
	s0 =	sld [smem:$0x3FAE]  }
0x30: {  	s3 =	sld [smem:$0x3FB1]  }
0x31: {  	[smem:$0x3FBA] =	sst s10  }
0x32: {  	s10 =	sld [smem:$0x3FB8];
	_ =	sdelay $0x3  }
0x33: {  	p0 =	seq.s32 s10, $0x1;
	s10 =	sld [smem:$0x3FBA];
	_ =	sdelay $0x3  }
0x34: {  	[smem:$0x3FBA] =	sst s10  }
0x35: {  	s10 =	sld [smem:$0x3FB9];
	_ =	sdelay $0x3  }
0x36: {  	p1 =	seq.s32 s10, $0x1;
	s10 =	sld [smem:$0x3FBA];
	_ =	sdelay $0x3  }
0x37: {  	[smem:$0x3FBA] =	sst s10  }
0x38: {  	s10 =	sld [smem:$0x3FBB]  }
0x39: {  	_ = 	snop;
	(pc) =	sbr.ind lr, $3  }
0x3a: {  	_ = 	snop  }
0x3b: {  	_ = 	snop  }
0x3c: {  	p2 =	seq.s32 s10, $0x1;
	s10 =	sld [smem:$0x3FBA]  }
0x3d: {  	_ =	shalt  }
0x3e: {  	_ =	shalt  }
0x3f: {  	_ =	shalt  }
0x40: {  	_ =	shalt  }
0x41: {  	_ =	shalt  }
0x42: {  	_ =	shalt  }
0x43: {  	_ =	shalt  }
0x44: {  	_ =	shalt  }
0x45: {  	_ =	shalt  }
0x46: {  	_ =	shalt  }
0x47: {  	_ =	shalt  }
0x48: {  	_ =	shalt  }
0x49: {  	_ =	shalt  }
0x4a: {  	_ =	shalt  }
0x4b: {  	_ =	shalt  }
0x4c: {  	_ =	shalt  }
0x4d: {  	_ =	shalt  }
0x4e: {  	_ =	shalt  }
0x4f: {  	_ =	shalt  }
0x50: {  	_ =	shalt  }
0x51: {  	_ =	shalt  }
0x52: {  	_ =	shalt  }
0x53: {  	_ =	shalt  }
0x54: {  	_ =	shalt  }
0x55: {  	_ =	shalt  }
0x56: {  	_ =	shalt  }
0x57: {  	_ =	shalt  }
0x58: {  	_ =	shalt  }
0x59: {  	_ =	shalt  }
0x5a: {  	_ =	shalt  }
0x5b: {  	_ =	shalt  }
0x5c: {  	_ =	shalt  }
0x5d: {  	_ =	shalt  }
0x5e: {  	_ =	shalt  }
0x5f: {  	_ =	shalt  }
0x60: {  	_ =	shalt  }
0x61: {  	_ =	shalt  }
0x62: {  	_ =	shalt  }
0x63: {  	_ =	shalt  }
0x64: {  	_ =	shalt  }
0x65: {  	_ =	shalt  }
0x66: {  	_ =	shalt  }
0x67: {  	_ =	shalt  }
0x68: {  	_ =	shalt  }
0x69: {  	_ =	shalt  }
0x6a: {  	_ =	shalt  }
0x6b: {  	_ =	shalt  }
0x6c: {  	_ =	shalt  }
0x6d: {  	_ =	shalt  }
0x6e: {  	_ =	shalt  }
0x6f: {  	_ =	shalt  }
0x70: {  	_ =	shalt  }
0x71: {  	_ =	shalt  }
0x72: {  	_ =	shalt  }
0x73: {  	_ =	shalt  }
0x74: {  	_ =	shalt  }
0x75: {  	_ =	shalt  }
0x76: {  	_ =	shalt  }
0x77: {  	_ =	shalt  }
0x78: {  	_ =	shalt  }
0x79: {  	_ =	shalt  }
0x7a: {  	_ =	shalt  }
0x7b: {  	_ =	shalt  }
0x7c: {  	_ =	shalt  }
0x7d: {  	_ =	shalt  }
0x7e: {  	_ =	shalt  }
0x7f: {  	_ =	shalt  }
0x80: {  	_ =	shalt  }
0x81: {  	_ =	shalt  }
0x82: {  	_ =	shalt  }
0x83: {  	_ =	shalt  }
0x84: {  	_ =	shalt  }
0x85: {  	_ =	shalt  }
0x86: {  	_ =	shalt  }
0x87: {  	_ =	shalt  }
.Lfunc_end0:
.L_simem_size_0:
called_computation_lowered:
.L_overlay_start_0:
0x88: {  	s2 =	sld [smem:$0x3FD9]  }
0x89: {  	s3 =	sld [smem:$0x3FFE];
	_ =	sdelay $0x1  }
0x8a: {  	s1 =	srdreg.scid  }
0x8b: {  	s0 =	sand.u32 $0x1, s1  }
0x8c: {  	s17 =	sshll.u32 s0, $0xA;
	s2 =	sadd.s32 s3, s2  }
0x8d: {  	s2 =	sadd.s32 s2, s17  }
0x8e: {  	[smem:$0x3FC6] =	sst s2  }
0x8f: {  	_ = 	snop  }
0x90: {  	s2 =	sld [smem:$0x3FD0];
	(tm) =	ssettm $0x1  }
0x91: {  	s18 =	sld [smem:$0x3FFB];
	_ =	sdelay $0x3  }
0x92: {  	_ =	strace s18  }
0x93: {  	s3 =	sld [smem:$0x3FFC];
	_ =	sdelay $0x3  }
0x94: {  	_ =	strace s3  }
0x95: {  	s3 =	sld [smem:$0x3FFD];
	_ =	sdelay $0x3  }
0x96: {  	_ =	strace s3  }
0x97: {  	_ =	strace $0x8FFFFFFF  }
0x98: {  	s19 =	sld [smem:$0x3FDB];
	_ =	sdelay $0x1  }
0x99: {  	s4 =	simm.s32 $_scs_section_size  }
0x9a: {  	s5 =	simm.s32 $_size__tile_overlayer_lowered;
	s6 =	simm.s32 $_tile_overlayer_lowered  }
0x9b: {  	s22 =	simm.s32 $0x1BFF;
	s21 =	sshll.u32 s6, $0x1;
	s3 =	sadd.s32 s4, s19  }
0x9c: {  	s7 =	simm.s32 $0x0;
	s20 =	sshll.u32 s5, $0x1;
	s5 =	sadd.s32 s21, s3  }
0x9d: {  	[timem:s7], [sflag:s22] =	dma.local [hbm:s5], s20  }
0x9e: {  	_ =	swait.ge [sflag:s22], s20  }
0x9f: {  	s4 =	ssub.s32 $0x0, s20;
	[sflag:s22] =	ssyncset.done $0x0  }
0xa0: {  	[sflag:s22] =	ssyncadd.s32 s4;
	_ =	sdelay $0x1  }
0xa1: {  	s23 =	simm.s32 $0x1B8B  }
0xa2: {  	_ =	swait.ge [sflag:s23], $0x1  }
0xa3: {  	[sflag:s23] =	ssyncset.done $0x0  }
0xa4: {  	s25 =	simm.s32 $0x1B8E;
	s24 =	sld [smem:$0x3FFE];
	[sflag:s23] =	ssyncadd.s32 $0xFFFFFFFF  }
0xa5: {  	s26 =	simm.s32 $execute0_lowered;
	[smem:$0x3FD2] =	sst s25  }
0xa6: {  	s5 =	sshll.u32 s26, $0x1;
	_ =	strace $0x80000046;
	[dreg:$0x1] =	wrdreg $0xFFFFFFFF  }
0xa7: {  	s28 =	simm.s32 $_size_execute0_lowered;
	s3 =	sadd.s32 s3, s5;
	[dreg:$0x0] =	wrdreg $0x0  }
0xa8: {  	s5 =	sshll.u32 s28, $0x1;
	[dreg:$0x2] =	wrdreg s3  }
0xa9: {  	[dreg:$0x3] =	wrdreg s5  }
0xaa: {  	[dreg:$0x4] =	wrdreg $0xC0  }
0xab: {  	_ =	task [dreg:s7], $0x5FFFF  }
0xac: {  	[dreg:$0x1] =	wrdreg $0xFFFFFFFF  }
0xad: {  	[dreg:$0x0] =	wrdreg $0x60  }
0xae: {  	[dreg:$0x2] =	wrdreg s24  }
0xaf: {  	[dreg:$0x3] =	wrdreg s2  }
0xb0: {  	[dreg:$0x4] =	wrdreg $0x78000  }
0xb1: {  	[dreg:$0x5] =	wrdreg $0x9  }
0xb2: {  	_ =	task.clear_ibuf [dreg:s7], $0x6FFFF;
	_ =	strace $0x90000046  }
0xb3: {  	s29 =	simm.s32 $0x9;
	_ =	strace $0x80000048  }
0xb4: {  	_ =	swait.ge [sflag:s29], $0x1  }
0xb5: {  	[sflag:s29] =	ssyncadd.s32 $0xFFFFFFFF  }
0xb6: {  	_ =	strace $0x90000048  }
0xb7: {  	_ =	sfence  }
0xb8: {  	s30 =	sld [smem:$0x0];
	_ =	sdelay $0x2  }
0xb9: {  	s31 =	sshll.u32 s1, $0xD;
	s1 =	sshrl.u32 s1, $0x2  }
0xba: {  	s3 =	sand.u32 $0x4000, s31;
	s1 =	sadd.s32 s1, s30  }
0xbb: {  	s0 =	sor.u32 s3, s0;
	s1 =	sshll.u32 s1, $0x11  }
0xbc: {  	s0 =	sor.u32 s1, s0  }
0xbd: {  	s0 =	sadd.s32 $0x8F2B, s0  }
0xbe: {  	[sflag:s0] =	ssyncadd.remote.s32 $0x1  }
0xbf: {  	_ =	sfence.sel $0xFFFF  }
0xc0: {  	[dreg:$0x0] =	wrdreg $0xFFFFFFFF;
	(pc) =	sbr.abs _section_cstart, $3  }
0xc1: {  	[dreg:$0x1] =	wrdreg $0xFFFFFFFF  }
0xc2: {  	_ =	task.clear_ibuf [dreg:s7], $0x2FFFF;
	_ =	strace $0x9FFFFFFF  }
0xc3: {  	(tm) =	ssettm $0x7FFFFFFF  }
tec
execute0_lowered:
.L_overlay_start_1:
0x0: {  	(tag) =	ssettag $0x1  }
0x1: {  	s0 =	rddreg [dreg:$0x0]  }
0x2: {  	s13 =	rddreg [dreg:$0x1]  }
0x3: {  	s1 =	rddreg [dreg:$0x2]  }
0x4: {  	s2 =	srdreg.scid;
	s3 =	simm.s32 $0x0;
	s23 =	stileid.u32  }
0x5: {  	s16 =	simm.s32 $0x2;
	s28 =	simm.s32 $0x1;
	s29 =	simm.s32 $0x0  }
0x6: {  	s14 =	sand.u32 $0x1, s2;
	[smem:$0x7FF] =	sst s3;
	s9 =	smul.u32 $0x50000, s23  }
0x7: {  	s4 =	sadd.s32 $0xE000, s0;
	s21 =	sadd.s32 $0x35A00, s0;
	s17 =	smul.u32 $0x14000, s23  }
0x8: {  	s5 =	sshll.u32 s14, $0x4;
	_ =	strace $0x80000047;
	s7 =	ssub.s32 $0x2, s14  }
0x9: {  	p0 =	seq.s32 s14, $0x0;
	s6 =	sor.u32 s23, s5;
	s5 =	sadd.s32 $0x35200, s0  }
0xa: {  	s8 =	sshrl.u32 s7, $0x1;
	s24 =	sshrl.u32 s9, $0x2;
	s18 =	sadd.s32 $0x4000, s17  }
0xb: {  	s19 =	sadd.s32 $0x8000, s17;
	s20 =	sadd.s32 $0xC000, s17;
	s23 =	sadd.s32 $0x10000, s17  }
0xc: {  	s16 =	simm.s32 @!p0 $0x2B;
	s6 =	smul.u32 $0x3800, s6;
	s22 =	ssub.s32 s7, s8  }
0xd: {  	s8 =	sadd.s32 s24, s1;
	s9 =	sadd.s32 s18, s1;
	s24 =	smul.u32 $0x140000, s14  }
0xe: {  	s10 =	sadd.s32 s19, s1;
	s11 =	sadd.s32 s20, s1;
	s12 =	sadd.s32 s23, s1  }
0xf: {  	s22 =	smax.u32 s22, $0x1;
	s15 =	sshrl.u32 s6, $0x3;
	s25 =	sadd.s32 s17, s24  }
0x10: {  	s26 =	sadd.s32 s24, s18;
	s30 =	sadd.s32 s24, s19;
	s20 =	sadd.s32 s24, s20  }
0x11: {  	s23 =	sadd.s32 s24, s23;
	s24 =	simm.s32 $0x3800;
	s6 =	sadd.s32 s13, s15  }
0x12: {  	s7 =	sadd.s32 s0, s15;
	s15 =	sadd.s32 $0x380, s15;
	s18 =	sshrl.u32 s26, $0x3  }
0x13: {  	s31 =	sshrl.u32 s20, $0x3;
	s23 =	sshrl.u32 s23, $0x3;
	s26 =	simm.s32 $0x80  }
0x14: {  	s13 =	sadd.s32 s13, s15;
	s14 =	sadd.s32 s0, s15;
	s15 =	simm.s32 $0x2  }
0x15: {  	s0 =	sshrl.u32 s25, $0x3;
	s18 =	sadd.s32 s21, s18;
	s20 =	sadd.s32 s21, s31  }
0x16: {  	s25 =	simm.s32 $0x3;
	s17 =	sadd.s32 s21, s0;
	s0 =	sshrl.u32 s30, $0x3  }
0x17: {  	s19 =	sadd.s32 s21, s0;
	s21 =	sadd.s32 s21, s23;
	s23 =	simm.s32 $0x1C00  }
.LBB2_1:
0x18: {  	[tilespmem:s3], [sflag:$0x2] =	stream.linear.gather [hbm4b:s6+s3], $0x1C00, $0x38;
	[tilespmem:$0x1B800] =	vst v63  }
0x19: {  	_ = 	snop  }
0x1a: {  	[tilespmem:s23], [sflag:$0x2] =	stream.linear.gather [hbm4b:s7+s3], $0x1C00, $0x38;
	[tilespmem:$0x1B800] =	vst v63  }
0x1b: {  	_ = 	snop  }
0x1c: {  	[tilespmem:s24], [sflag:$0x3] =	stream.linear.gather [hbm4b:s5+s3], $0x4000, $0x38;
	[tilespmem:$0x1B800] =	vst v63  }
0x1d: {  	_ =	swait.ge [sflag:s25], $0x4000  }
0x1e: {  	[sflag:s25] =	ssyncset.done $0x0  }
0x1f: {  	[sflag:s25] =	ssyncadd.s32 $0xFFFFC000  }
0x20: {  	[spmem:s8] =	stream.linear.scatter [tilespmem:s24], [sflag:$0x3], $0x4000, $0x38;
	[tilespmem:$0x1B800] =	vst v63  }
0x21: {  	_ =	swait.ge [sflag:s25], $0x4000  }
0x22: {  	[sflag:s25] =	ssyncset.done $0x0  }
0x23: {  	[sflag:s25] =	ssyncadd.s32 $0xFFFFC000  }
0x24: {  	[spmem:s9] =	stream.linear.scatter [tilespmem:s24], [sflag:$0x3], $0x4000, $0x38;
	[tilespmem:$0x1B800] =	vst v63  }
0x25: {  	_ =	swait.ge [sflag:s25], $0x4000  }
0x26: {  	[sflag:s25] =	ssyncset.done $0x0  }
0x27: {  	[sflag:s25] =	ssyncadd.s32 $0xFFFFC000  }
0x28: {  	[spmem:s10] =	stream.linear.scatter [tilespmem:s24], [sflag:$0x3], $0x4000, $0x38;
	[tilespmem:$0x1B800] =	vst v63  }
0x29: {  	_ =	swait.ge [sflag:s25], $0x4000  }
0x2a: {  	[sflag:s25] =	ssyncset.done $0x0  }
0x2b: {  	[sflag:s25] =	ssyncadd.s32 $0xFFFFC000  }
0x2c: {  	[spmem:s11] =	stream.linear.scatter [tilespmem:s24], [sflag:$0x3], $0x4000, $0x38;
	[tilespmem:$0x1B800] =	vst v63  }
0x2d: {  	_ =	swait.ge [sflag:s25], $0x4000  }
0x2e: {  	[sflag:s25] =	ssyncset.done $0x0  }
0x2f: {  	[sflag:s25] =	ssyncadd.s32 $0xFFFFC000  }
0x30: {  	[spmem:s12] =	stream.linear.scatter [tilespmem:s24], [sflag:$0x3], $0x4000, $0x38;
	[tilespmem:$0x1B800] =	vst v63  }
0x31: {  	_ =	swait.ge [sflag:s25], $0x4000  }
0x32: {  	[sflag:s25] =	ssyncset.done $0x0  }
0x33: {  	[sflag:s25] =	ssyncadd.s32 $0xFFFFC000  }
0x34: {  	[bflag:$0x0] =	sbarrier.arrive $0xFFFF  }
0x35: {  	_ =	swait.ge [sflag:s15], $0x1C00  }
0x36: {  	[sflag:s15] =	ssyncset.done $0x0  }
0x37: {  	[sflag:s15] =	ssyncadd.s32 $0xFFFFE400  }
0x38: {  	_ =	swait.ge [sflag:s15], $0x1C00  }
0x39: {  	[sflag:s15] =	ssyncset.done $0x0  }
0x3a: {  	s0 =	simm.s32 $0x0;
	[sflag:s15] =	ssyncadd.s32 $0xFFFFE400  }
0x3b: {  	[tilespmem:s24], [sflag:$0x1] =	stream.indirect.gather [hbm4b:s4+s26], $0x80, s0, s26, $0xb8;
	[tilespmem:$0x1B800] =	vst v63  }
0x3c: {  	_ =	swait.ge [sflag:s28], $0x4000  }
0x3d: {  	[sflag:s28] =	ssyncset.done $0x0  }
0x3e: {  	s31 =	simm.s32 $0x1C00;
	[sflag:s28] =	ssyncadd.s32 $0xFFFFC000  }
0x3f: {  	[spmem:s1] =	stream.indirect.scatter.add.f32 [tilespmem:s24], [sflag:$0x3], $0x80, s31, s26, $0xb8;
	[tilespmem:$0x1B800] =	vst v63  }
0x40: {  	_ =	swait.ge [sflag:s25], $0x4000  }
0x41: {  	s30 =	simm.s32 $0x200;
	s0 =	simm.s32 $0x400;
	[sflag:s25] =	ssyncset.done $0x0  }
.LBB2_2:
0x42: {  	s31 =	sshra.s32 s30, $0x2  }
0x43: {  	[sflag:s25] =	ssyncadd.s32 $0xFFFFC000;
	s30 =	smov.u32 s0;
	s2 =	sadd.s32 $0x200, s0  }
0x44: {  	[tilespmem:s24], [sflag:$0x1] =	stream.indirect.gather [hbm4b:s4+s26], $0x80, s31, s26, $0xb8;
	[tilespmem:$0x1B800] =	vst v63  }
0x45: {  	p0 =	sne.s32 s0, $0x6E00;
	_ =	swait.ge [sflag:s28], $0x4000  }
.Ltmp0:
0x46: {  	[sflag:s28] =	ssyncset.done $0x0;
	(pc) =	sbr.rel @p0 .LBB2_2-.Ltmp0, $4  }
0x47: {  	s0 =	sadd.s32 $0x1C00, s31;
	[sflag:s28] =	ssyncadd.s32 $0xFFFFC000  }
0x48: {  	[spmem:s1] =	stream.indirect.scatter.add.f32 [tilespmem:s24], [sflag:$0x3], $0x80, s0, s26, $0xb8;
	[tilespmem:$0x1B800] =	vst v63  }
0x49: {  	_ =	swait.ge [sflag:s25], $0x4000  }
0x4a: {  	s0 =	smov.u32 s2;
	[sflag:s25] =	ssyncset.done $0x0  }
0x4b: {  	s0 =	sshra.s32 s30, $0x2;
	[sflag:s25] =	ssyncadd.s32 $0xFFFFC000  }
0x4c: {  	[tilespmem:s24], [sflag:$0x1] =	stream.indirect.gather [hbm4b:s4+s26], $0x80, s0, s26, $0xb8;
	[tilespmem:$0x1B800] =	vst v63  }
0x4d: {  	_ =	swait.ge [sflag:s28], $0x4000  }
0x4e: {  	[sflag:s28] =	ssyncset.done $0x0  }
0x4f: {  	s0 =	sadd.s32 $0x1C00, s0;
	[sflag:s28] =	ssyncadd.s32 $0xFFFFC000  }
0x50: {  	[spmem:s1] =	stream.indirect.scatter.add.f32 [tilespmem:s24], [sflag:$0x3], $0x80, s0, s26, $0xb8;
	[tilespmem:$0x1B800] =	vst v63  }
0x51: {  	_ =	swait.ge [sflag:s25], $0x4000  }
0x52: {  	[sflag:s25] =	ssyncset.done $0x0  }
0x53: {  	s30 =	simm.s32 $0x0;
	[sflag:s25] =	ssyncadd.s32 $0xFFFFC000  }
0x54: {  	[tilespmem:s30], [sflag:$0x3] =	stream.linear.gather [hbm4b:s13+s30], $0x1C00, $0x38;
	[tilespmem:$0x1B800] =	vst v63  }
0x55: {  	_ =	swait.ge [sflag:s25], $0x1C00  }
0x56: {  	[sflag:s25] =	ssyncset.done $0x0  }
0x57: {  	s31 =	simm.s32 $0x1C00;
	[sflag:s25] =	ssyncadd.s32 $0xFFFFE400  }
0x58: {  	[tilespmem:s31], [sflag:$0x3] =	stream.linear.gather [hbm4b:s14+s30], $0x1C00, $0x38;
	[tilespmem:$0x1B800] =	vst v63  }
0x59: {  	_ =	swait.ge [sflag:s25], $0x1C00  }
0x5a: {  	[sflag:s25] =	ssyncset.done $0x0  }
0x5b: {  	[sflag:s25] =	ssyncadd.s32 $0xFFFFE400  }
0x5c: {  	[tilespmem:s24], [sflag:$0x1] =	stream.indirect.gather [hbm4b:s4+s26], $0x80, s30, s26, $0xb8;
	[tilespmem:$0x1B800] =	vst v63  }
0x5d: {  	p0 =	sne.s32 s16, $0x1;
	_ =	swait.ge [sflag:s28], $0x4000  }
.Ltmp1:
0x5e: {  	[sflag:s28] =	ssyncset.done $0x0;
	(pc) =	sbr.rel @!p0 .LBB2_5-.Ltmp1, $4  }
0x5f: {  	[sflag:s28] =	ssyncadd.s32 $0xFFFFC000  }
0x60: {  	[spmem:s1] =	stream.indirect.scatter.add.f32 [tilespmem:s24], [sflag:$0x3], $0x80, s31, s26, $0xb8;
	[tilespmem:$0x1B800] =	vst v63  }
0x61: {  	_ =	swait.ge [sflag:s25], $0x4000  }
0x62: {  	s0 =	sadd.s32 $0xFFFFFFFF, s16;
	[sflag:s25] =	ssyncset.done $0x0  }
.LBB2_4:
0x63: {  	[sflag:s25] =	ssyncadd.s32 $0xFFFFC000;
	s30 =	sadd.s32 $0x80, s30;
	s31 =	sadd.s32 $0x80, s31  }
0x64: {  	[tilespmem:s24], [sflag:$0x1] =	stream.indirect.gather [hbm4b:s4+s26], $0x80, s30, s26, $0xb8;
	[tilespmem:$0x1B800] =	vst v63  }
0x65: {  	p0 =	sne.s32 s0, $0x1;
	s0 =	sadd.s32 $0xFFFFFFFF, s0;
	_ =	swait.ge [sflag:s28], $0x4000  }
.Ltmp2:
0x66: {  	[sflag:s28] =	ssyncset.done $0x0;
	(pc) =	sbr.rel @p0 .LBB2_4-.Ltmp2, $4  }
0x67: {  	[sflag:s28] =	ssyncadd.s32 $0xFFFFC000  }
0x68: {  	[spmem:s1] =	stream.indirect.scatter.add.f32 [tilespmem:s24], [sflag:$0x3], $0x80, s31, s26, $0xb8;
	[tilespmem:$0x1B800] =	vst v63  }
0x69: {  	_ =	swait.ge [sflag:s25], $0x4000  }
0x6a: {  	[sflag:s25] =	ssyncset.done $0x0  }
.LBB2_5:
0x6b: {  	[sflag:s25] =	ssyncadd.s32 $0xFFFFC000  }
0x6c: {  	[bflag:$0x0] =	sbarrier.arrive $0xFFFF  }
0x6d: {  	[tilespmem:s24], [sflag:$0x3] =	stream.linear.gather [spmem:s8], $0x4000, $0x38;
	[tilespmem:$0x1B800] =	vst v63  }
0x6e: {  	_ =	swait.ge [sflag:s25], $0x4000  }
0x6f: {  	[sflag:s25] =	ssyncset.done $0x0  }
0x70: {  	[sflag:s25] =	ssyncadd.s32 $0xFFFFC000  }
0x71: {  	[hbm4b:s17+s3] =	stream.linear.scatter [tilespmem:s24], [sflag:$0x3], $0x4000, $0x38;
	[tilespmem:$0x1B800] =	vst v63  }
0x72: {  	_ =	swait.ge [sflag:s25], $0x4000  }
0x73: {  	[sflag:s25] =	ssyncset.done $0x0  }
0x74: {  	[sflag:s25] =	ssyncadd.s32 $0xFFFFC000  }
0x75: {  	[tilespmem:s24], [sflag:$0x3] =	stream.linear.gather [spmem:s9], $0x4000, $0x38;
	[tilespmem:$0x1B800] =	vst v63  }
0x76: {  	_ =	swait.ge [sflag:s25], $0x4000  }
0x77: {  	[sflag:s25] =	ssyncset.done $0x0  }
0x78: {  	[sflag:s25] =	ssyncadd.s32 $0xFFFFC000  }
0x79: {  	[hbm4b:s18+s3] =	stream.linear.scatter [tilespmem:s24], [sflag:$0x3], $0x4000, $0x38;
	[tilespmem:$0x1B800] =	vst v63  }
0x7a: {  	_ =	swait.ge [sflag:s25], $0x4000  }
0x7b: {  	[sflag:s25] =	ssyncset.done $0x0  }
0x7c: {  	[sflag:s25] =	ssyncadd.s32 $0xFFFFC000  }
0x7d: {  	[tilespmem:s24], [sflag:$0x3] =	stream.linear.gather [spmem:s10], $0x4000, $0x38;
	[tilespmem:$0x1B800] =	vst v63  }
0x7e: {  	_ =	swait.ge [sflag:s25], $0x4000  }
0x7f: {  	[sflag:s25] =	ssyncset.done $0x0  }
0x80: {  	[sflag:s25] =	ssyncadd.s32 $0xFFFFC000  }
0x81: {  	[hbm4b:s19+s3] =	stream.linear.scatter [tilespmem:s24], [sflag:$0x3], $0x4000, $0x38;
	[tilespmem:$0x1B800] =	vst v63  }
0x82: {  	_ =	swait.ge [sflag:s25], $0x4000  }
0x83: {  	[sflag:s25] =	ssyncset.done $0x0  }
0x84: {  	[sflag:s25] =	ssyncadd.s32 $0xFFFFC000  }
0x85: {  	[tilespmem:s24], [sflag:$0x3] =	stream.linear.gather [spmem:s11], $0x4000, $0x38;
	[tilespmem:$0x1B800] =	vst v63  }
0x86: {  	_ =	swait.ge [sflag:s25], $0x4000  }
0x87: {  	[sflag:s25] =	ssyncset.done $0x0  }
0x88: {  	[sflag:s25] =	ssyncadd.s32 $0xFFFFC000  }
0x89: {  	[hbm4b:s20+s3] =	stream.linear.scatter [tilespmem:s24], [sflag:$0x3], $0x4000, $0x38;
	[tilespmem:$0x1B800] =	vst v63  }
0x8a: {  	_ =	swait.ge [sflag:s25], $0x4000  }
0x8b: {  	[sflag:s25] =	ssyncset.done $0x0  }
0x8c: {  	[sflag:s25] =	ssyncadd.s32 $0xFFFFC000  }
0x8d: {  	[tilespmem:s24], [sflag:$0x3] =	stream.linear.gather [spmem:s12], $0x4000, $0x38;
	[tilespmem:$0x1B800] =	vst v63  }
0x8e: {  	s29 =	sadd.s32 $0x1, s29;
	_ =	swait.ge [sflag:s25], $0x4000  }
0x8f: {  	p0 =	sne.s32 s29, s22;
	[sflag:s25] =	ssyncset.done $0x0  }
.Ltmp3:
0x90: {  	[sflag:s25] =	ssyncadd.s32 $0xFFFFC000;
	(pc) =	sbr.rel @p0 .LBB2_1-.Ltmp3, $4  }
0x91: {  	[hbm4b:s21+s3] =	stream.linear.scatter [tilespmem:s24], [sflag:$0x3], $0x4000, $0x38;
	[tilespmem:$0x1B800] =	vst v63  }
0x92: {  	_ =	swait.ge [sflag:s25], $0x4000  }
0x93: {  	[sflag:s25] =	ssyncset.done $0x0  }
0x94: {  	[sflag:s25] =	ssyncadd.s32 $0xFFFFC000  }
0x95: {  	_ =	sfence.sel $0x180000  }
0x96: {  	[bflag:$0x0] =	sbarrier.arrive $0xFFFF  }
0x97: {  	_ =	strace $0x90000047  }
0x98: {  	s0 =	stileid.u32;
	[bflag:$0x2] =	sbarrier.arrive $0xFFFF  }
0x99: {  	p0 =	sne.s32 s0, $0x0;
	s0 =	rddreg [dreg:$0x3]  }
0x9a: {  	s0 =	sadd.s32 @!p0 $0x100000, s0  }
0x9b: {  	[sflag:s0] =	ssyncadd.tile.s32 @!p0 $0x1;
	_ =	shalt  }
.Lfunc_end2:
_tile_overlayer_lowered:
.L_overlay_start_2:
0x9c: {  	(tag) =	ssettag $0x2  }
0x9d: {  	s0 =	rddreg [dreg:$0x0];
	s2 =	stileid.u32  }
0x9e: {  	s1 =	rddreg [dreg:$0x1];
	p0 =	sne.s32 s2, $0x0  }
0x9f: {  	s3 =	rddreg [dreg:$0x2];
	[bflag:$0x3] =	sbarrier.arrive $0xFFFF;
	s2 =	simm.s32 @!p0 $0x1C03  }
0xa0: {  	[timem:s3], [sflag:s2] =	dma.local @!p0 [hbm:s0], s1  }
0xa1: {  	s0 =	simm.s32 @!p0 $0x3  }
0xa2: {  	_ =	swait.ge @!p0 [sflag:s0], s1  }
0xa3: {  	s1 =	ssub.s32 @!p0 $0x0, s1;
	[sflag:s0] =	ssyncset.done @!p0 $0x0  }
0xa4: {  	[sflag:s0] =	ssyncadd.s32 @!p0 s1  }
0xa5: {  	[bflag:$0x3] =	sbarrier.arrive $0xFFFF  }
0xa6: {  	_ =	shalt  }

</sc_bundles>
